<compile_context>
chip_gen: v7x
topology: tpu7x:2x2x1
jax: 0.10.2.dev20260603
libtpu: 0.0.44.dev20260713+nightly
codegen_flags: <defaults>
</compile_context>

<pallas_src>
import functools

import jax
import jax.numpy as jnp
from jax import lax
from jax.experimental import pallas as pl
from jax.experimental.pallas import tpu as pltpu
from jax.experimental.pallas import tpu_sc as plsc

VOCAB = 100000
EMBED_DIM = 128
N_CLASS = 16
BATCH = 4096
SEQ = 50

NUM_CORES = 2
NUM_SUBCORES = 16
NUM_WORKERS = NUM_CORES * NUM_SUBCORES
ROWS_PER_W = BATCH // NUM_WORKERS
IDX_PER_W = ROWS_PER_W * SEQ
CHUNK = 128
NCHUNK = IDX_PER_W // CHUNK

PACK = 128 // N_CLASS
VROWS = VOCAB // PACK
VBLK = 10000
SLAB = VBLK // PACK
SLAB_PAD = 1280
VOCAB_PAD = (VOCAB // VBLK) * SLAB_PAD * PACK


def _proj_body(t_ref, w_ref, o_ref):
    w = w_ref[...] * (1.0 / SEQ)
    t3 = t_ref[...].reshape(SLAB, PACK, EMBED_DIM)
    o_ref[0, :SLAB, :] = jnp.concatenate(
        [
            jnp.dot(t3[:, a, :], w, preferred_element_type=jnp.float32)
            for a in range(PACK)
        ],
        axis=1,
    )


def _project(table, W):
    nblk = VOCAB // VBLK
    p2 = pl.pallas_call(
        _proj_body,
        grid=(nblk,),
        in_specs=[
            pl.BlockSpec((VBLK, EMBED_DIM), lambda i: (i, 0)),
            pl.BlockSpec((EMBED_DIM, N_CLASS), lambda i: (0, 0)),
        ],
        out_specs=pl.BlockSpec(
            (1, SLAB_PAD, PACK * N_CLASS), lambda i: (i, 0, 0)
        ),
        out_shape=jax.ShapeDtypeStruct(
            (nblk, SLAB_PAD, PACK * N_CLASS), jnp.float32
        ),
    )(table, W)
    return p2.reshape(VOCAB_PAD, N_CLASS)


_mesh = plsc.VectorSubcoreMesh(core_axis_name="c", subcore_axis_name="s")


@functools.partial(
    pl.kernel,
    out_type=jax.ShapeDtypeStruct((BATCH, N_CLASS), jnp.float32),
    mesh=_mesh,
    compiler_params=pltpu.CompilerParams(use_tc_tiling_on_sc=False),
    scratch_types=[
        pltpu.VMEM((IDX_PER_W,), jnp.int32),
        pltpu.VMEM((IDX_PER_W, N_CLASS), jnp.float32),
        pltpu.VMEM((ROWS_PER_W, N_CLASS), jnp.float32),
        pltpu.VMEM((N_CLASS,), jnp.float32),
        pltpu.SemaphoreType.DMA,
    ],
)
def _pool_kernel(p_hbm, idx_hbm, b_hbm, out_hbm, idx_v, rows_v, out_v, b_v, sem):
    wid = lax.axis_index("s") * NUM_CORES + lax.axis_index("c")

    pltpu.sync_copy(b_hbm, b_v)
    pltpu.sync_copy(idx_hbm.at[wid], idx_v)

    def fire_chunk(c, carry):
        for k in range(CHUNK // 16):
            sl = pl.ds(c * CHUNK + k * 16, 16)
            v = idx_v[sl]
            digit = ((v.astype(jnp.float32) + 0.5) * (1.0 / VBLK)).astype(
                jnp.int32
            )
            idx_v[sl] = v + (SLAB_PAD - SLAB) * PACK * digit
        pltpu.async_copy(
            p_hbm.at[idx_v.at[pl.ds(c * CHUNK, CHUNK)]],
            rows_v.at[pl.ds(c * CHUNK, CHUNK)],
            sem,
        )
        return carry

    lax.fori_loop(0, NCHUNK, fire_chunk, 0)

    def drain_chunk(c, carry):
        pltpu.make_async_copy(
            p_hbm.at[idx_v.at[pl.ds(c * CHUNK, CHUNK)]],
            rows_v.at[pl.ds(c * CHUNK, CHUNK)],
            sem,
        ).wait()
        return carry

    def row_body(i, carry):
        base = i * SEQ
        accs = [rows_v[base + k] for k in range(5)]
        for j in range(5, SEQ, 5):
            for k in range(5):
                accs[k] = accs[k] + rows_v[base + j + k]
        out_v[i] = ((accs[0] + accs[1]) + (accs[2] + accs[3])) + (
            accs[4] + b_v[...]
        )
        return carry

    for h in range(2):
        lax.fori_loop(
            h * (NCHUNK // 2), (h + 1) * (NCHUNK // 2), drain_chunk, 0
        )
        lax.fori_loop(
            h * (ROWS_PER_W // 2), (h + 1) * (ROWS_PER_W // 2), row_body, 0
        )

    pltpu.sync_copy(out_v, out_hbm.at[pl.ds(wid * ROWS_PER_W, ROWS_PER_W)])


def kernel(indices, table, W, b):
    p = _project(table, W)
    idx = indices.reshape(NUM_WORKERS, IDX_PER_W)
    return _pool_kernel(p, idx, b)

# --- scband reference (transcript-rebuilt; emitter-appended) ---
"""Pipeline reference for scband-classification-59682865545458 (READ-ONLY COPY).

The authoritative reference and input builder live on the scoring server;
editing this copy changes nothing except your own understanding.
"""

import jax, jax.numpy as jnp
import numpy as np

VOCAB = 100000
EMBED_DIM = 128
N_CLASS = 16
BATCH = 4096
SEQ = 50

def setup_inputs(seed: int = 0) -> dict:
    key = jax.random.key(seed)
    k1, k2, k3, k4 = jax.random.split(key, 4)
    indices = jax.random.randint(k1, (BATCH, SEQ), 0, VOCAB, dtype=jnp.int64 if jax.config.read('jax_enable_x64') else jnp.int32).astype(jnp.int32)
    table = jax.random.normal(k2, (VOCAB, EMBED_DIM), dtype=jnp.float32) * 0.02
    W = jax.random.normal(k3, (EMBED_DIM, N_CLASS), dtype=jnp.float32) * 0.02
    b = jnp.zeros((N_CLASS,), dtype=jnp.float32)
    return {"indices": indices, "table": table, "W": W, "b": b}

def reference(indices, table, W, b):
    # Embedding lookup: [B, L] -> [B, L, D]
    emb = jnp.take(table, indices, axis=0)
    # Mean pooling over sequence dimension
    pooled = jnp.mean(emb, axis=1)
    # Linear classifier head -> logits [B, n_class]
    logits = pooled @ W + b
    return logits

if __name__ == "__main__":
    import jax
    _d = setup_inputs()
    print(jax.jit(kernel)(*tuple(_d.values())))

</pallas_src>

<mosaic_0001>
#map = affine_map<(d0, d1) -> (0, 0)>
#map1 = affine_map<(d0, d1) -> (0)>
module attributes {stable_mosaic.version = 14 : i64} {
  func.func @_pool_kernel(%arg0: i32, %arg1: i32, %arg2: memref<102400x16xf32, #tpu.memory_space<hbm>>, %arg3: memref<32x6400xi32, #tpu.memory_space<hbm>>, %arg4: memref<16xf32, #tpu.memory_space<hbm>>, %arg5: memref<4096x16xf32, #tpu.memory_space<hbm>>, %arg6: memref<6400xi32, #tpu.memory_space<vmem>>, %arg7: memref<6400x16xf32, #tpu.memory_space<vmem>>, %arg8: memref<128x16xf32, #tpu.memory_space<vmem>>, %arg9: memref<16xf32, #tpu.memory_space<vmem>>, %arg10: memref<!tpu.dma_semaphore, #tpu.memory_space<semaphore_mem>>) attributes {dimension_semantics = [#tpu.dimension_semantics<core_parallel>, #tpu.dimension_semantics<subcore_parallel>], iteration_bounds = array<i64: 2, 16>, scalar_prefetch = 0 : i64, scratch_operands = 5 : i64, tpu.core_type = #tpu.core_type<sc_vector_subcore>, window_params = [{transform_indices = #map}, {transform_indices = #map}, {transform_indices = #map1}, {transform_indices = #map}]} {
    %mul3A = arith.constant 2 : i32
    %mul3A_0 = arith.muli %arg1, %mul3A : i32
    %add3A = arith.addi %mul3A_0, %arg0 : i32
    "tpu.region"() ({
      %run_scoped3A = tpu.sem_alloc : memref<!tpu.dma_semaphore, #tpu.memory_space<semaphore_mem>>
      tpu.enqueue_dma source(%arg4 : memref<16xf32, #tpu.memory_space<hbm>>) target(%arg9 : memref<16xf32, #tpu.memory_space<vmem>>) target_semaphore(%run_scoped3A : memref<!tpu.dma_semaphore, #tpu.memory_space<semaphore_mem>>)
      tpu.wait_dma2 semaphore(%run_scoped3A : memref<!tpu.dma_semaphore, #tpu.memory_space<semaphore_mem>>) src(%arg4 : memref<16xf32, #tpu.memory_space<hbm>>) dst(%arg9 : memref<16xf32, #tpu.memory_space<vmem>>)
      tpu.yield
    }) : () -> ()
    "tpu.region"() ({
      %run_scoped3A = tpu.sem_alloc : memref<!tpu.dma_semaphore, #tpu.memory_space<semaphore_mem>>
      %dma_start3A = arith.constant 0 : i32
      %dma_start3A_32 = tpu.memref_slice %arg3[%add3A, %dma_start3A] : memref<32x6400xi32, #tpu.memory_space<hbm>> -> memref<1x6400xi32, #tpu.memory_space<hbm>>
      %dma_start3A_33 = tpu.memref_squeeze %dma_start3A_32 : memref<1x6400xi32, #tpu.memory_space<hbm>> -> memref<6400xi32, #tpu.memory_space<hbm>>
      %dma_start3A_34 = arith.constant 0 : i32
      %dma_start3A_35 = tpu.memref_slice %arg3[%add3A, %dma_start3A_34] : memref<32x6400xi32, #tpu.memory_space<hbm>> -> memref<1x6400xi32, #tpu.memory_space<hbm>>
      %dma_start3A_36 = tpu.memref_squeeze %dma_start3A_35 : memref<1x6400xi32, #tpu.memory_space<hbm>> -> memref<6400xi32, #tpu.memory_space<hbm>>
      tpu.enqueue_dma source(%dma_start3A_36 : memref<6400xi32, #tpu.memory_space<hbm>>) target(%arg6 : memref<6400xi32, #tpu.memory_space<vmem>>) target_semaphore(%run_scoped3A : memref<!tpu.dma_semaphore, #tpu.memory_space<semaphore_mem>>)
      %dma_wait3A = arith.constant 0 : i32
      %dma_wait3A_37 = tpu.memref_slice %arg3[%add3A, %dma_wait3A] : memref<32x6400xi32, #tpu.memory_space<hbm>> -> memref<1x6400xi32, #tpu.memory_space<hbm>>
      %dma_wait3A_38 = tpu.memref_squeeze %dma_wait3A_37 : memref<1x6400xi32, #tpu.memory_space<hbm>> -> memref<6400xi32, #tpu.memory_space<hbm>>
      %dma_wait3A_39 = arith.constant 0 : i32
      %dma_wait3A_40 = tpu.memref_slice %arg3[%add3A, %dma_wait3A_39] : memref<32x6400xi32, #tpu.memory_space<hbm>> -> memref<1x6400xi32, #tpu.memory_space<hbm>>
      %dma_wait3A_41 = tpu.memref_squeeze %dma_wait3A_40 : memref<1x6400xi32, #tpu.memory_space<hbm>> -> memref<6400xi32, #tpu.memory_space<hbm>>
      tpu.wait_dma2 semaphore(%run_scoped3A : memref<!tpu.dma_semaphore, #tpu.memory_space<semaphore_mem>>) src(%dma_wait3A_41 : memref<6400xi32, #tpu.memory_space<hbm>>) dst(%arg6 : memref<6400xi32, #tpu.memory_space<vmem>>)
      tpu.yield
    }) : () -> ()
    %scan3A = arith.constant 0 : i32
    %scan3A_1 = arith.constant 0 : i32
    %scan3A_2 = arith.constant 50 : i32
    %scan3A_3 = arith.addi %scan3A_1, %scan3A_2 : i32
    %scan3A_4 = arith.constant 1 : i32
    scf.for %scan3A_32 = %scan3A_1 to %scan3A_3 step %scan3A_4  : i32 {
      %mul3A_33 = arith.constant 128 : i32
      %mul3A_34 = arith.muli %scan3A_32, %mul3A_33 : i32
      %add3A_35 = arith.constant 0 : i32
      %add3A_36 = arith.addi %mul3A_34, %add3A_35 : i32
      %get3A = arith.index_cast %add3A_36 : i32 to index
      %get3A_37 = tpu.vector_load %arg6[%get3A] {strides = array<i32>} : memref<6400xi32, #tpu.memory_space<vmem>>, vector<16xi32>,
      %get3A_38 = vector.shape_cast %get3A_37 : vector<16xi32> to vector<16xi32>
      %convert_element_type3A = arith.sitofp %get3A_38 : vector<16xi32> to vector<16xf32>
      %add3A_39 = arith.constant 5.000000e-01 : f32
      %add3A_40 = vector.broadcast %add3A_39 : f32 to vector<16xf32>
      %add3A_41 = arith.addf %convert_element_type3A, %add3A_40 : vector<16xf32>
      %mul3A_42 = arith.constant 9.99999974E-5 : f32
      %mul3A_43 = vector.broadcast %mul3A_42 : f32 to vector<16xf32>
      %mul3A_44 = arith.mulf %add3A_41, %mul3A_43 : vector<16xf32>
      %convert_element_type3A_45 = arith.fptosi %mul3A_44 : vector<16xf32> to vector<16xi32>
      %mul3A_46 = arith.constant 240 : i32
      %mul3A_47 = vector.broadcast %mul3A_46 : i32 to vector<16xi32>
      %mul3A_48 = arith.muli %mul3A_47, %convert_element_type3A_45 : vector<16xi32>
      %add3A_49 = arith.addi %get3A_38, %mul3A_48 : vector<16xi32>
      %swap3A = arith.index_cast %add3A_36 : i32 to index
      %swap3A_50 = tpu.vector_load %arg6[%swap3A] {strides = array<i32>} : memref<6400xi32, #tpu.memory_space<vmem>>, vector<16xi32>,
      %swap3A_51 = vector.shape_cast %swap3A_50 : vector<16xi32> to vector<16xi32>
      %swap3A_52 = vector.shape_cast %add3A_49 : vector<16xi32> to vector<16xi32>
      tpu.vector_store %arg6[%swap3A], %swap3A_52 {strides = array<i32>} : memref<6400xi32, #tpu.memory_space<vmem>>, vector<16xi32>,
      %mul3A_53 = arith.constant 128 : i32
      %mul3A_54 = arith.muli %scan3A_32, %mul3A_53 : i32
      %add3A_55 = arith.constant 16 : i32
      %add3A_56 = arith.addi %mul3A_54, %add3A_55 : i32
      %get3A_57 = arith.index_cast %add3A_56 : i32 to index
      %get3A_58 = tpu.vector_load %arg6[%get3A_57] {strides = array<i32>} : memref<6400xi32, #tpu.memory_space<vmem>>, vector<16xi32>,
      %get3A_59 = vector.shape_cast %get3A_58 : vector<16xi32> to vector<16xi32>
      %convert_element_type3A_60 = arith.sitofp %get3A_59 : vector<16xi32> to vector<16xf32>
      %add3A_61 = arith.constant 5.000000e-01 : f32
      %add3A_62 = vector.broadcast %add3A_61 : f32 to vector<16xf32>
      %add3A_63 = arith.addf %convert_element_type3A_60, %add3A_62 : vector<16xf32>
      %mul3A_64 = arith.constant 9.99999974E-5 : f32
      %mul3A_65 = vector.broadcast %mul3A_64 : f32 to vector<16xf32>
      %mul3A_66 = arith.mulf %add3A_63, %mul3A_65 : vector<16xf32>
      %convert_element_type3A_67 = arith.fptosi %mul3A_66 : vector<16xf32> to vector<16xi32>
      %mul3A_68 = arith.constant 240 : i32
      %mul3A_69 = vector.broadcast %mul3A_68 : i32 to vector<16xi32>
      %mul3A_70 = arith.muli %mul3A_69, %convert_element_type3A_67 : vector<16xi32>
      %add3A_71 = arith.addi %get3A_59, %mul3A_70 : vector<16xi32>
      %swap3A_72 = arith.index_cast %add3A_56 : i32 to index
      %swap3A_73 = tpu.vector_load %arg6[%swap3A_72] {strides = array<i32>} : memref<6400xi32, #tpu.memory_space<vmem>>, vector<16xi32>,
      %swap3A_74 = vector.shape_cast %swap3A_73 : vector<16xi32> to vector<16xi32>
      %swap3A_75 = vector.shape_cast %add3A_71 : vector<16xi32> to vector<16xi32>
      tpu.vector_store %arg6[%swap3A_72], %swap3A_75 {strides = array<i32>} : memref<6400xi32, #tpu.memory_space<vmem>>, vector<16xi32>,
      %mul3A_76 = arith.constant 128 : i32
      %mul3A_77 = arith.muli %scan3A_32, %mul3A_76 : i32
      %add3A_78 = arith.constant 32 : i32
      %add3A_79 = arith.addi %mul3A_77, %add3A_78 : i32
      %get3A_80 = arith.index_cast %add3A_79 : i32 to index
      %get3A_81 = tpu.vector_load %arg6[%get3A_80] {strides = array<i32>} : memref<6400xi32, #tpu.memory_space<vmem>>, vector<16xi32>,
      %get3A_82 = vector.shape_cast %get3A_81 : vector<16xi32> to vector<16xi32>
      %convert_element_type3A_83 = arith.sitofp %get3A_82 : vector<16xi32> to vector<16xf32>
      %add3A_84 = arith.constant 5.000000e-01 : f32
      %add3A_85 = vector.broadcast %add3A_84 : f32 to vector<16xf32>
      %add3A_86 = arith.addf %convert_element_type3A_83, %add3A_85 : vector<16xf32>
      %mul3A_87 = arith.constant 9.99999974E-5 : f32
      %mul3A_88 = vector.broadcast %mul3A_87 : f32 to vector<16xf32>
      %mul3A_89 = arith.mulf %add3A_86, %mul3A_88 : vector<16xf32>
      %convert_element_type3A_90 = arith.fptosi %mul3A_89 : vector<16xf32> to vector<16xi32>
      %mul3A_91 = arith.constant 240 : i32
      %mul3A_92 = vector.broadcast %mul3A_91 : i32 to vector<16xi32>
      %mul3A_93 = arith.muli %mul3A_92, %convert_element_type3A_90 : vector<16xi32>
      %add3A_94 = arith.addi %get3A_82, %mul3A_93 : vector<16xi32>
      %swap3A_95 = arith.index_cast %add3A_79 : i32 to index
      %swap3A_96 = tpu.vector_load %arg6[%swap3A_95] {strides = array<i32>} : memref<6400xi32, #tpu.memory_space<vmem>>, vector<16xi32>,
      %swap3A_97 = vector.shape_cast %swap3A_96 : vector<16xi32> to vector<16xi32>
      %swap3A_98 = vector.shape_cast %add3A_94 : vector<16xi32> to vector<16xi32>
      tpu.vector_store %arg6[%swap3A_95], %swap3A_98 {strides = array<i32>} : memref<6400xi32, #tpu.memory_space<vmem>>, vector<16xi32>,
      %mul3A_99 = arith.constant 128 : i32
      %mul3A_100 = arith.muli %scan3A_32, %mul3A_99 : i32
      %add3A_101 = arith.constant 48 : i32
      %add3A_102 = arith.addi %mul3A_100, %add3A_101 : i32
      %get3A_103 = arith.index_cast %add3A_102 : i32 to index
      %get3A_104 = tpu.vector_load %arg6[%get3A_103] {strides = array<i32>} : memref<6400xi32, #tpu.memory_space<vmem>>, vector<16xi32>,
      %get3A_105 = vector.shape_cast %get3A_104 : vector<16xi32> to vector<16xi32>
      %convert_element_type3A_106 = arith.sitofp %get3A_105 : vector<16xi32> to vector<16xf32>
      %add3A_107 = arith.constant 5.000000e-01 : f32
      %add3A_108 = vector.broadcast %add3A_107 : f32 to vector<16xf32>
      %add3A_109 = arith.addf %convert_element_type3A_106, %add3A_108 : vector<16xf32>
      %mul3A_110 = arith.constant 9.99999974E-5 : f32
      %mul3A_111 = vector.broadcast %mul3A_110 : f32 to vector<16xf32>
      %mul3A_112 = arith.mulf %add3A_109, %mul3A_111 : vector<16xf32>
      %convert_element_type3A_113 = arith.fptosi %mul3A_112 : vector<16xf32> to vector<16xi32>
      %mul3A_114 = arith.constant 240 : i32
      %mul3A_115 = vector.broadcast %mul3A_114 : i32 to vector<16xi32>
      %mul3A_116 = arith.muli %mul3A_115, %convert_element_type3A_113 : vector<16xi32>
      %add3A_117 = arith.addi %get3A_105, %mul3A_116 : vector<16xi32>
      %swap3A_118 = arith.index_cast %add3A_102 : i32 to index
      %swap3A_119 = tpu.vector_load %arg6[%swap3A_118] {strides = array<i32>} : memref<6400xi32, #tpu.memory_space<vmem>>, vector<16xi32>,
      %swap3A_120 = vector.shape_cast %swap3A_119 : vector<16xi32> to vector<16xi32>
      %swap3A_121 = vector.shape_cast %add3A_117 : vector<16xi32> to vector<16xi32>
      tpu.vector_store %arg6[%swap3A_118], %swap3A_121 {strides = array<i32>} : memref<6400xi32, #tpu.memory_space<vmem>>, vector<16xi32>,
      %mul3A_122 = arith.constant 128 : i32
      %mul3A_123 = arith.muli %scan3A_32, %mul3A_122 : i32
      %add3A_124 = arith.constant 64 : i32
      %add3A_125 = arith.addi %mul3A_123, %add3A_124 : i32
      %get3A_126 = arith.index_cast %add3A_125 : i32 to index
      %get3A_127 = tpu.vector_load %arg6[%get3A_126] {strides = array<i32>} : memref<6400xi32, #tpu.memory_space<vmem>>, vector<16xi32>,
      %get3A_128 = vector.shape_cast %get3A_127 : vector<16xi32> to vector<16xi32>
      %convert_element_type3A_129 = arith.sitofp %get3A_128 : vector<16xi32> to vector<16xf32>
      %add3A_130 = arith.constant 5.000000e-01 : f32
      %add3A_131 = vector.broadcast %add3A_130 : f32 to vector<16xf32>
      %add3A_132 = arith.addf %convert_element_type3A_129, %add3A_131 : vector<16xf32>
      %mul3A_133 = arith.constant 9.99999974E-5 : f32
      %mul3A_134 = vector.broadcast %mul3A_133 : f32 to vector<16xf32>
      %mul3A_135 = arith.mulf %add3A_132, %mul3A_134 : vector<16xf32>
      %convert_element_type3A_136 = arith.fptosi %mul3A_135 : vector<16xf32> to vector<16xi32>
      %mul3A_137 = arith.constant 240 : i32
      %mul3A_138 = vector.broadcast %mul3A_137 : i32 to vector<16xi32>
      %mul3A_139 = arith.muli %mul3A_138, %convert_element_type3A_136 : vector<16xi32>
      %add3A_140 = arith.addi %get3A_128, %mul3A_139 : vector<16xi32>
      %swap3A_141 = arith.index_cast %add3A_125 : i32 to index
      %swap3A_142 = tpu.vector_load %arg6[%swap3A_141] {strides = array<i32>} : memref<6400xi32, #tpu.memory_space<vmem>>, vector<16xi32>,
      %swap3A_143 = vector.shape_cast %swap3A_142 : vector<16xi32> to vector<16xi32>
      %swap3A_144 = vector.shape_cast %add3A_140 : vector<16xi32> to vector<16xi32>
      tpu.vector_store %arg6[%swap3A_141], %swap3A_144 {strides = array<i32>} : memref<6400xi32, #tpu.memory_space<vmem>>, vector<16xi32>,
      %mul3A_145 = arith.constant 128 : i32
      %mul3A_146 = arith.muli %scan3A_32, %mul3A_145 : i32
      %add3A_147 = arith.constant 80 : i32
      %add3A_148 = arith.addi %mul3A_146, %add3A_147 : i32
      %get3A_149 = arith.index_cast %add3A_148 : i32 to index
      %get3A_150 = tpu.vector_load %arg6[%get3A_149] {strides = array<i32>} : memref<6400xi32, #tpu.memory_space<vmem>>, vector<16xi32>,
      %get3A_151 = vector.shape_cast %get3A_150 : vector<16xi32> to vector<16xi32>
      %convert_element_type3A_152 = arith.sitofp %get3A_151 : vector<16xi32> to vector<16xf32>
      %add3A_153 = arith.constant 5.000000e-01 : f32
      %add3A_154 = vector.broadcast %add3A_153 : f32 to vector<16xf32>
      %add3A_155 = arith.addf %convert_element_type3A_152, %add3A_154 : vector<16xf32>
      %mul3A_156 = arith.constant 9.99999974E-5 : f32
      %mul3A_157 = vector.broadcast %mul3A_156 : f32 to vector<16xf32>
      %mul3A_158 = arith.mulf %add3A_155, %mul3A_157 : vector<16xf32>
      %convert_element_type3A_159 = arith.fptosi %mul3A_158 : vector<16xf32> to vector<16xi32>
      %mul3A_160 = arith.constant 240 : i32
      %mul3A_161 = vector.broadcast %mul3A_160 : i32 to vector<16xi32>
      %mul3A_162 = arith.muli %mul3A_161, %convert_element_type3A_159 : vector<16xi32>
      %add3A_163 = arith.addi %get3A_151, %mul3A_162 : vector<16xi32>
      %swap3A_164 = arith.index_cast %add3A_148 : i32 to index
      %swap3A_165 = tpu.vector_load %arg6[%swap3A_164] {strides = array<i32>} : memref<6400xi32, #tpu.memory_space<vmem>>, vector<16xi32>,
      %swap3A_166 = vector.shape_cast %swap3A_165 : vector<16xi32> to vector<16xi32>
      %swap3A_167 = vector.shape_cast %add3A_163 : vector<16xi32> to vector<16xi32>
      tpu.vector_store %arg6[%swap3A_164], %swap3A_167 {strides = array<i32>} : memref<6400xi32, #tpu.memory_space<vmem>>, vector<16xi32>,
      %mul3A_168 = arith.constant 128 : i32
      %mul3A_169 = arith.muli %scan3A_32, %mul3A_168 : i32
      %add3A_170 = arith.constant 96 : i32
      %add3A_171 = arith.addi %mul3A_169, %add3A_170 : i32
      %get3A_172 = arith.index_cast %add3A_171 : i32 to index
      %get3A_173 = tpu.vector_load %arg6[%get3A_172] {strides = array<i32>} : memref<6400xi32, #tpu.memory_space<vmem>>, vector<16xi32>,
      %get3A_174 = vector.shape_cast %get3A_173 : vector<16xi32> to vector<16xi32>
      %convert_element_type3A_175 = arith.sitofp %get3A_174 : vector<16xi32> to vector<16xf32>
      %add3A_176 = arith.constant 5.000000e-01 : f32
      %add3A_177 = vector.broadcast %add3A_176 : f32 to vector<16xf32>
      %add3A_178 = arith.addf %convert_element_type3A_175, %add3A_177 : vector<16xf32>
      %mul3A_179 = arith.constant 9.99999974E-5 : f32
      %mul3A_180 = vector.broadcast %mul3A_179 : f32 to vector<16xf32>
      %mul3A_181 = arith.mulf %add3A_178, %mul3A_180 : vector<16xf32>
      %convert_element_type3A_182 = arith.fptosi %mul3A_181 : vector<16xf32> to vector<16xi32>
      %mul3A_183 = arith.constant 240 : i32
      %mul3A_184 = vector.broadcast %mul3A_183 : i32 to vector<16xi32>
      %mul3A_185 = arith.muli %mul3A_184, %convert_element_type3A_182 : vector<16xi32>
      %add3A_186 = arith.addi %get3A_174, %mul3A_185 : vector<16xi32>
      %swap3A_187 = arith.index_cast %add3A_171 : i32 to index
      %swap3A_188 = tpu.vector_load %arg6[%swap3A_187] {strides = array<i32>} : memref<6400xi32, #tpu.memory_space<vmem>>, vector<16xi32>,
      %swap3A_189 = vector.shape_cast %swap3A_188 : vector<16xi32> to vector<16xi32>
      %swap3A_190 = vector.shape_cast %add3A_186 : vector<16xi32> to vector<16xi32>
      tpu.vector_store %arg6[%swap3A_187], %swap3A_190 {strides = array<i32>} : memref<6400xi32, #tpu.memory_space<vmem>>, vector<16xi32>,
      %mul3A_191 = arith.constant 128 : i32
      %mul3A_192 = arith.muli %scan3A_32, %mul3A_191 : i32
      %add3A_193 = arith.constant 112 : i32
      %add3A_194 = arith.addi %mul3A_192, %add3A_193 : i32
      %get3A_195 = arith.index_cast %add3A_194 : i32 to index
      %get3A_196 = tpu.vector_load %arg6[%get3A_195] {strides = array<i32>} : memref<6400xi32, #tpu.memory_space<vmem>>, vector<16xi32>,
      %get3A_197 = vector.shape_cast %get3A_196 : vector<16xi32> to vector<16xi32>
      %convert_element_type3A_198 = arith.sitofp %get3A_197 : vector<16xi32> to vector<16xf32>
      %add3A_199 = arith.constant 5.000000e-01 : f32
      %add3A_200 = vector.broadcast %add3A_199 : f32 to vector<16xf32>
      %add3A_201 = arith.addf %convert_element_type3A_198, %add3A_200 : vector<16xf32>
      %mul3A_202 = arith.constant 9.99999974E-5 : f32
      %mul3A_203 = vector.broadcast %mul3A_202 : f32 to vector<16xf32>
      %mul3A_204 = arith.mulf %add3A_201, %mul3A_203 : vector<16xf32>
      %convert_element_type3A_205 = arith.fptosi %mul3A_204 : vector<16xf32> to vector<16xi32>
      %mul3A_206 = arith.constant 240 : i32
      %mul3A_207 = vector.broadcast %mul3A_206 : i32 to vector<16xi32>
      %mul3A_208 = arith.muli %mul3A_207, %convert_element_type3A_205 : vector<16xi32>
      %add3A_209 = arith.addi %get3A_197, %mul3A_208 : vector<16xi32>
      %swap3A_210 = arith.index_cast %add3A_194 : i32 to index
      %swap3A_211 = tpu.vector_load %arg6[%swap3A_210] {strides = array<i32>} : memref<6400xi32, #tpu.memory_space<vmem>>, vector<16xi32>,
      %swap3A_212 = vector.shape_cast %swap3A_211 : vector<16xi32> to vector<16xi32>
      %swap3A_213 = vector.shape_cast %add3A_209 : vector<16xi32> to vector<16xi32>
      tpu.vector_store %arg6[%swap3A_210], %swap3A_213 {strides = array<i32>} : memref<6400xi32, #tpu.memory_space<vmem>>, vector<16xi32>,
      %mul3A_214 = arith.constant 128 : i32
      %mul3A_215 = arith.muli %scan3A_32, %mul3A_214 : i32
      %mul3A_216 = arith.constant 128 : i32
      %mul3A_217 = arith.muli %scan3A_32, %mul3A_216 : i32
      %dma_start3A = arith.constant 0 : i32
      %dma_start3A_218 = tpu.memref_slice %arg7[%mul3A_217, %dma_start3A] : memref<6400x16xf32, #tpu.memory_space<vmem>> -> memref<128x16xf32, #tpu.memory_space<vmem>>
      %dma_start3A_219 = tpu.memref_slice %arg6[%mul3A_215] : memref<6400xi32, #tpu.memory_space<vmem>> -> memref<128xi32, #tpu.memory_space<vmem>>
      %dma_start3A_220 = arith.constant 0 : i32
      %dma_start3A_221 = arith.constant 0 : i32
      %dma_start3A_222 = tpu.memref_slice %arg2[%dma_start3A_220, %dma_start3A_221] : memref<102400x16xf32, #tpu.memory_space<hbm>> -> memref<102400x16xf32, #tpu.memory_space<hbm>>
      tpu.enqueue_indirect_dma source(%dma_start3A_222 : memref<102400x16xf32, #tpu.memory_space<hbm>>) target(%dma_start3A_218 : memref<128x16xf32, #tpu.memory_space<vmem>>) offsets(%dma_start3A_219 : memref<128xi32, #tpu.memory_space<vmem>>) semaphore(%arg10 : memref<!tpu.dma_semaphore, #tpu.memory_space<semaphore_mem>>)
    }
    %scan3A_5 = arith.constant 50 : i32
    %scan3A_6 = arith.constant 0 : i32
    %scan3A_7 = arith.constant 0 : i32
    %scan3A_8 = arith.constant 25 : i32
    %scan3A_9 = arith.addi %scan3A_7, %scan3A_8 : i32
    %scan3A_10 = arith.constant 1 : i32
    scf.for %scan3A_32 = %scan3A_7 to %scan3A_9 step %scan3A_10  : i32 {
      %mul3A_33 = arith.constant 128 : i32
      %mul3A_34 = arith.muli %scan3A_32, %mul3A_33 : i32
      %mul3A_35 = arith.constant 128 : i32
      %mul3A_36 = arith.muli %scan3A_32, %mul3A_35 : i32
      %dma_wait3A = arith.constant 0 : i32
      %dma_wait3A_37 = tpu.memref_slice %arg7[%mul3A_36, %dma_wait3A] : memref<6400x16xf32, #tpu.memory_space<vmem>> -> memref<128x16xf32, #tpu.memory_space<vmem>>
      %dma_wait3A_38 = tpu.memref_slice %arg6[%mul3A_34] : memref<6400xi32, #tpu.memory_space<vmem>> -> memref<128xi32, #tpu.memory_space<vmem>>
      %dma_wait3A_39 = arith.constant 0 : i32
      %dma_wait3A_40 = arith.constant 0 : i32
      %dma_wait3A_41 = tpu.memref_slice %arg2[%dma_wait3A_39, %dma_wait3A_40] : memref<102400x16xf32, #tpu.memory_space<hbm>> -> memref<102400x16xf32, #tpu.memory_space<hbm>>
      tpu.wait_indirect_dma semaphore(%arg10 : memref<!tpu.dma_semaphore, #tpu.memory_space<semaphore_mem>>) src(%dma_wait3A_41 : memref<102400x16xf32, #tpu.memory_space<hbm>>) dst(%dma_wait3A_37 : memref<128x16xf32, #tpu.memory_space<vmem>>)
    }
    %scan3A_11 = arith.constant 25 : i32
    %scan3A_12 = arith.constant 0 : i32
    %scan3A_13 = arith.constant 0 : i32
    %scan3A_14 = arith.constant 64 : i32
    %scan3A_15 = arith.addi %scan3A_13, %scan3A_14 : i32
    %scan3A_16 = arith.constant 1 : i32
    scf.for %scan3A_32 = %scan3A_13 to %scan3A_15 step %scan3A_16  : i32 {
      %mul3A_33 = arith.constant 50 : i32
      %mul3A_34 = arith.muli %scan3A_32, %mul3A_33 : i32
      %add3A_35 = arith.constant 0 : i32
      %add3A_36 = arith.addi %mul3A_34, %add3A_35 : i32
      %get3A = arith.index_cast %add3A_36 : i32 to index
      %get3A_37 = arith.constant 0 : index
      %get3A_38 = tpu.vector_load %arg7[%get3A, %get3A_37] {strides = array<i32>} : memref<6400x16xf32, #tpu.memory_space<vmem>>, vector<1x16xf32>,
      %get3A_39 = vector.shape_cast %get3A_38 : vector<1x16xf32> to vector<16xf32>
      %add3A_40 = arith.constant 1 : i32
      %add3A_41 = arith.addi %mul3A_34, %add3A_40 : i32
      %get3A_42 = arith.index_cast %add3A_41 : i32 to index
      %get3A_43 = arith.constant 0 : index
      %get3A_44 = tpu.vector_load %arg7[%get3A_42, %get3A_43] {strides = array<i32>} : memref<6400x16xf32, #tpu.memory_space<vmem>>, vector<1x16xf32>,
      %get3A_45 = vector.shape_cast %get3A_44 : vector<1x16xf32> to vector<16xf32>
      %add3A_46 = arith.constant 2 : i32
      %add3A_47 = arith.addi %mul3A_34, %add3A_46 : i32
      %get3A_48 = arith.index_cast %add3A_47 : i32 to index
      %get3A_49 = arith.constant 0 : index
      %get3A_50 = tpu.vector_load %arg7[%get3A_48, %get3A_49] {strides = array<i32>} : memref<6400x16xf32, #tpu.memory_space<vmem>>, vector<1x16xf32>,
      %get3A_51 = vector.shape_cast %get3A_50 : vector<1x16xf32> to vector<16xf32>
      %add3A_52 = arith.constant 3 : i32
      %add3A_53 = arith.addi %mul3A_34, %add3A_52 : i32
      %get3A_54 = arith.index_cast %add3A_53 : i32 to index
      %get3A_55 = arith.constant 0 : index
      %get3A_56 = tpu.vector_load %arg7[%get3A_54, %get3A_55] {strides = array<i32>} : memref<6400x16xf32, #tpu.memory_space<vmem>>, vector<1x16xf32>,
      %get3A_57 = vector.shape_cast %get3A_56 : vector<1x16xf32> to vector<16xf32>
      %add3A_58 = arith.constant 4 : i32
      %add3A_59 = arith.addi %mul3A_34, %add3A_58 : i32
      %get3A_60 = arith.index_cast %add3A_59 : i32 to index
      %get3A_61 = arith.constant 0 : index
      %get3A_62 = tpu.vector_load %arg7[%get3A_60, %get3A_61] {strides = array<i32>} : memref<6400x16xf32, #tpu.memory_space<vmem>>, vector<1x16xf32>,
      %get3A_63 = vector.shape_cast %get3A_62 : vector<1x16xf32> to vector<16xf32>
      %add3A_64 = arith.constant 5 : i32
      %add3A_65 = arith.addi %mul3A_34, %add3A_64 : i32
      %add3A_66 = arith.constant 0 : i32
      %add3A_67 = arith.addi %add3A_65, %add3A_66 : i32
      %get3A_68 = arith.index_cast %add3A_67 : i32 to index
      %get3A_69 = arith.constant 0 : index
      %get3A_70 = tpu.vector_load %arg7[%get3A_68, %get3A_69] {strides = array<i32>} : memref<6400x16xf32, #tpu.memory_space<vmem>>, vector<1x16xf32>,
      %get3A_71 = vector.shape_cast %get3A_70 : vector<1x16xf32> to vector<16xf32>
      %add3A_72 = arith.addf %get3A_39, %get3A_71 : vector<16xf32>
      %add3A_73 = arith.constant 5 : i32
      %add3A_74 = arith.addi %mul3A_34, %add3A_73 : i32
      %add3A_75 = arith.constant 1 : i32
      %add3A_76 = arith.addi %add3A_74, %add3A_75 : i32
      %get3A_77 = arith.index_cast %add3A_76 : i32 to index
      %get3A_78 = arith.constant 0 : index
      %get3A_79 = tpu.vector_load %arg7[%get3A_77, %get3A_78] {strides = array<i32>} : memref<6400x16xf32, #tpu.memory_space<vmem>>, vector<1x16xf32>,
      %get3A_80 = vector.shape_cast %get3A_79 : vector<1x16xf32> to vector<16xf32>
      %add3A_81 = arith.addf %get3A_45, %get3A_80 : vector<16xf32>
      %add3A_82 = arith.constant 5 : i32
      %add3A_83 = arith.addi %mul3A_34, %add3A_82 : i32
      %add3A_84 = arith.constant 2 : i32
      %add3A_85 = arith.addi %add3A_83, %add3A_84 : i32
      %get3A_86 = arith.index_cast %add3A_85 : i32 to index
      %get3A_87 = arith.constant 0 : index
      %get3A_88 = tpu.vector_load %arg7[%get3A_86, %get3A_87] {strides = array<i32>} : memref<6400x16xf32, #tpu.memory_space<vmem>>, vector<1x16xf32>,
      %get3A_89 = vector.shape_cast %get3A_88 : vector<1x16xf32> to vector<16xf32>
      %add3A_90 = arith.addf %get3A_51, %get3A_89 : vector<16xf32>
      %add3A_91 = arith.constant 5 : i32
      %add3A_92 = arith.addi %mul3A_34, %add3A_91 : i32
      %add3A_93 = arith.constant 3 : i32
      %add3A_94 = arith.addi %add3A_92, %add3A_93 : i32
      %get3A_95 = arith.index_cast %add3A_94 : i32 to index
      %get3A_96 = arith.constant 0 : index
      %get3A_97 = tpu.vector_load %arg7[%get3A_95, %get3A_96] {strides = array<i32>} : memref<6400x16xf32, #tpu.memory_space<vmem>>, vector<1x16xf32>,
      %get3A_98 = vector.shape_cast %get3A_97 : vector<1x16xf32> to vector<16xf32>
      %add3A_99 = arith.addf %get3A_57, %get3A_98 : vector<16xf32>
      %add3A_100 = arith.constant 5 : i32
      %add3A_101 = arith.addi %mul3A_34, %add3A_100 : i32
      %add3A_102 = arith.constant 4 : i32
      %add3A_103 = arith.addi %add3A_101, %add3A_102 : i32
      %get3A_104 = arith.index_cast %add3A_103 : i32 to index
      %get3A_105 = arith.constant 0 : index
      %get3A_106 = tpu.vector_load %arg7[%get3A_104, %get3A_105] {strides = array<i32>} : memref<6400x16xf32, #tpu.memory_space<vmem>>, vector<1x16xf32>,
      %get3A_107 = vector.shape_cast %get3A_106 : vector<1x16xf32> to vector<16xf32>
      %add3A_108 = arith.addf %get3A_63, %get3A_107 : vector<16xf32>
      %add3A_109 = arith.constant 10 : i32
      %add3A_110 = arith.addi %mul3A_34, %add3A_109 : i32
      %add3A_111 = arith.constant 0 : i32
      %add3A_112 = arith.addi %add3A_110, %add3A_111 : i32
      %get3A_113 = arith.index_cast %add3A_112 : i32 to index
      %get3A_114 = arith.constant 0 : index
      %get3A_115 = tpu.vector_load %arg7[%get3A_113, %get3A_114] {strides = array<i32>} : memref<6400x16xf32, #tpu.memory_space<vmem>>, vector<1x16xf32>,
      %get3A_116 = vector.shape_cast %get3A_115 : vector<1x16xf32> to vector<16xf32>
      %add3A_117 = arith.addf %add3A_72, %get3A_116 : vector<16xf32>
      %add3A_118 = arith.constant 10 : i32
      %add3A_119 = arith.addi %mul3A_34, %add3A_118 : i32
      %add3A_120 = arith.constant 1 : i32
      %add3A_121 = arith.addi %add3A_119, %add3A_120 : i32
      %get3A_122 = arith.index_cast %add3A_121 : i32 to index
      %get3A_123 = arith.constant 0 : index
      %get3A_124 = tpu.vector_load %arg7[%get3A_122, %get3A_123] {strides = array<i32>} : memref<6400x16xf32, #tpu.memory_space<vmem>>, vector<1x16xf32>,
      %get3A_125 = vector.shape_cast %get3A_124 : vector<1x16xf32> to vector<16xf32>
      %add3A_126 = arith.addf %add3A_81, %get3A_125 : vector<16xf32>
      %add3A_127 = arith.constant 10 : i32
      %add3A_128 = arith.addi %mul3A_34, %add3A_127 : i32
      %add3A_129 = arith.constant 2 : i32
      %add3A_130 = arith.addi %add3A_128, %add3A_129 : i32
      %get3A_131 = arith.index_cast %add3A_130 : i32 to index
      %get3A_132 = arith.constant 0 : index
      %get3A_133 = tpu.vector_load %arg7[%get3A_131, %get3A_132] {strides = array<i32>} : memref<6400x16xf32, #tpu.memory_space<vmem>>, vector<1x16xf32>,
      %get3A_134 = vector.shape_cast %get3A_133 : vector<1x16xf32> to vector<16xf32>
      %add3A_135 = arith.addf %add3A_90, %get3A_134 : vector<16xf32>
      %add3A_136 = arith.constant 10 : i32
      %add3A_137 = arith.addi %mul3A_34, %add3A_136 : i32
      %add3A_138 = arith.constant 3 : i32
      %add3A_139 = arith.addi %add3A_137, %add3A_138 : i32
      %get3A_140 = arith.index_cast %add3A_139 : i32 to index
      %get3A_141 = arith.constant 0 : index
      %get3A_142 = tpu.vector_load %arg7[%get3A_140, %get3A_141] {strides = array<i32>} : memref<6400x16xf32, #tpu.memory_space<vmem>>, vector<1x16xf32>,
      %get3A_143 = vector.shape_cast %get3A_142 : vector<1x16xf32> to vector<16xf32>
      %add3A_144 = arith.addf %add3A_99, %get3A_143 : vector<16xf32>
      %add3A_145 = arith.constant 10 : i32
      %add3A_146 = arith.addi %mul3A_34, %add3A_145 : i32
      %add3A_147 = arith.constant 4 : i32
      %add3A_148 = arith.addi %add3A_146, %add3A_147 : i32
      %get3A_149 = arith.index_cast %add3A_148 : i32 to index
      %get3A_150 = arith.constant 0 : index
      %get3A_151 = tpu.vector_load %arg7[%get3A_149, %get3A_150] {strides = array<i32>} : memref<6400x16xf32, #tpu.memory_space<vmem>>, vector<1x16xf32>,
      %get3A_152 = vector.shape_cast %get3A_151 : vector<1x16xf32> to vector<16xf32>
      %add3A_153 = arith.addf %add3A_108, %get3A_152 : vector<16xf32>
      %add3A_154 = arith.constant 15 : i32
      %add3A_155 = arith.addi %mul3A_34, %add3A_154 : i32
      %add3A_156 = arith.constant 0 : i32
      %add3A_157 = arith.addi %add3A_155, %add3A_156 : i32
      %get3A_158 = arith.index_cast %add3A_157 : i32 to index
      %get3A_159 = arith.constant 0 : index
      %get3A_160 = tpu.vector_load %arg7[%get3A_158, %get3A_159] {strides = array<i32>} : memref<6400x16xf32, #tpu.memory_space<vmem>>, vector<1x16xf32>,
      %get3A_161 = vector.shape_cast %get3A_160 : vector<1x16xf32> to vector<16xf32>
      %add3A_162 = arith.addf %add3A_117, %get3A_161 : vector<16xf32>
      %add3A_163 = arith.constant 15 : i32
      %add3A_164 = arith.addi %mul3A_34, %add3A_163 : i32
      %add3A_165 = arith.constant 1 : i32
      %add3A_166 = arith.addi %add3A_164, %add3A_165 : i32
      %get3A_167 = arith.index_cast %add3A_166 : i32 to index
      %get3A_168 = arith.constant 0 : index
      %get3A_169 = tpu.vector_load %arg7[%get3A_167, %get3A_168] {strides = array<i32>} : memref<6400x16xf32, #tpu.memory_space<vmem>>, vector<1x16xf32>,
      %get3A_170 = vector.shape_cast %get3A_169 : vector<1x16xf32> to vector<16xf32>
      %add3A_171 = arith.addf %add3A_126, %get3A_170 : vector<16xf32>
      %add3A_172 = arith.constant 15 : i32
      %add3A_173 = arith.addi %mul3A_34, %add3A_172 : i32
      %add3A_174 = arith.constant 2 : i32
      %add3A_175 = arith.addi %add3A_173, %add3A_174 : i32
      %get3A_176 = arith.index_cast %add3A_175 : i32 to index
      %get3A_177 = arith.constant 0 : index
      %get3A_178 = tpu.vector_load %arg7[%get3A_176, %get3A_177] {strides = array<i32>} : memref<6400x16xf32, #tpu.memory_space<vmem>>, vector<1x16xf32>,
      %get3A_179 = vector.shape_cast %get3A_178 : vector<1x16xf32> to vector<16xf32>
      %add3A_180 = arith.addf %add3A_135, %get3A_179 : vector<16xf32>
      %add3A_181 = arith.constant 15 : i32
      %add3A_182 = arith.addi %mul3A_34, %add3A_181 : i32
      %add3A_183 = arith.constant 3 : i32
      %add3A_184 = arith.addi %add3A_182, %add3A_183 : i32
      %get3A_185 = arith.index_cast %add3A_184 : i32 to index
      %get3A_186 = arith.constant 0 : index
      %get3A_187 = tpu.vector_load %arg7[%get3A_185, %get3A_186] {strides = array<i32>} : memref<6400x16xf32, #tpu.memory_space<vmem>>, vector<1x16xf32>,
      %get3A_188 = vector.shape_cast %get3A_187 : vector<1x16xf32> to vector<16xf32>
      %add3A_189 = arith.addf %add3A_144, %get3A_188 : vector<16xf32>
      %add3A_190 = arith.constant 15 : i32
      %add3A_191 = arith.addi %mul3A_34, %add3A_190 : i32
      %add3A_192 = arith.constant 4 : i32
      %add3A_193 = arith.addi %add3A_191, %add3A_192 : i32
      %get3A_194 = arith.index_cast %add3A_193 : i32 to index
      %get3A_195 = arith.constant 0 : index
      %get3A_196 = tpu.vector_load %arg7[%get3A_194, %get3A_195] {strides = array<i32>} : memref<6400x16xf32, #tpu.memory_space<vmem>>, vector<1x16xf32>,
      %get3A_197 = vector.shape_cast %get3A_196 : vector<1x16xf32> to vector<16xf32>
      %add3A_198 = arith.addf %add3A_153, %get3A_197 : vector<16xf32>
      %add3A_199 = arith.constant 20 : i32
      %add3A_200 = arith.addi %mul3A_34, %add3A_199 : i32
      %add3A_201 = arith.constant 0 : i32
      %add3A_202 = arith.addi %add3A_200, %add3A_201 : i32
      %get3A_203 = arith.index_cast %add3A_202 : i32 to index
      %get3A_204 = arith.constant 0 : index
      %get3A_205 = tpu.vector_load %arg7[%get3A_203, %get3A_204] {strides = array<i32>} : memref<6400x16xf32, #tpu.memory_space<vmem>>, vector<1x16xf32>,
      %get3A_206 = vector.shape_cast %get3A_205 : vector<1x16xf32> to vector<16xf32>
      %add3A_207 = arith.addf %add3A_162, %get3A_206 : vector<16xf32>
      %add3A_208 = arith.constant 20 : i32
      %add3A_209 = arith.addi %mul3A_34, %add3A_208 : i32
      %add3A_210 = arith.constant 1 : i32
      %add3A_211 = arith.addi %add3A_209, %add3A_210 : i32
      %get3A_212 = arith.index_cast %add3A_211 : i32 to index
      %get3A_213 = arith.constant 0 : index
      %get3A_214 = tpu.vector_load %arg7[%get3A_212, %get3A_213] {strides = array<i32>} : memref<6400x16xf32, #tpu.memory_space<vmem>>, vector<1x16xf32>,
      %get3A_215 = vector.shape_cast %get3A_214 : vector<1x16xf32> to vector<16xf32>
      %add3A_216 = arith.addf %add3A_171, %get3A_215 : vector<16xf32>
      %add3A_217 = arith.constant 20 : i32
      %add3A_218 = arith.addi %mul3A_34, %add3A_217 : i32
      %add3A_219 = arith.constant 2 : i32
      %add3A_220 = arith.addi %add3A_218, %add3A_219 : i32
      %get3A_221 = arith.index_cast %add3A_220 : i32 to index
      %get3A_222 = arith.constant 0 : index
      %get3A_223 = tpu.vector_load %arg7[%get3A_221, %get3A_222] {strides = array<i32>} : memref<6400x16xf32, #tpu.memory_space<vmem>>, vector<1x16xf32>,
      %get3A_224 = vector.shape_cast %get3A_223 : vector<1x16xf32> to vector<16xf32>
      %add3A_225 = arith.addf %add3A_180, %get3A_224 : vector<16xf32>
      %add3A_226 = arith.constant 20 : i32
      %add3A_227 = arith.addi %mul3A_34, %add3A_226 : i32
      %add3A_228 = arith.constant 3 : i32
      %add3A_229 = arith.addi %add3A_227, %add3A_228 : i32
      %get3A_230 = arith.index_cast %add3A_229 : i32 to index
      %get3A_231 = arith.constant 0 : index
      %get3A_232 = tpu.vector_load %arg7[%get3A_230, %get3A_231] {strides = array<i32>} : memref<6400x16xf32, #tpu.memory_space<vmem>>, vector<1x16xf32>,
      %get3A_233 = vector.shape_cast %get3A_232 : vector<1x16xf32> to vector<16xf32>
      %add3A_234 = arith.addf %add3A_189, %get3A_233 : vector<16xf32>
      %add3A_235 = arith.constant 20 : i32
      %add3A_236 = arith.addi %mul3A_34, %add3A_235 : i32
      %add3A_237 = arith.constant 4 : i32
      %add3A_238 = arith.addi %add3A_236, %add3A_237 : i32
      %get3A_239 = arith.index_cast %add3A_238 : i32 to index
      %get3A_240 = arith.constant 0 : index
      %get3A_241 = tpu.vector_load %arg7[%get3A_239, %get3A_240] {strides = array<i32>} : memref<6400x16xf32, #tpu.memory_space<vmem>>, vector<1x16xf32>,
      %get3A_242 = vector.shape_cast %get3A_241 : vector<1x16xf32> to vector<16xf32>
      %add3A_243 = arith.addf %add3A_198, %get3A_242 : vector<16xf32>
      %add3A_244 = arith.constant 25 : i32
      %add3A_245 = arith.addi %mul3A_34, %add3A_244 : i32
      %add3A_246 = arith.constant 0 : i32
      %add3A_247 = arith.addi %add3A_245, %add3A_246 : i32
      %get3A_248 = arith.index_cast %add3A_247 : i32 to index
      %get3A_249 = arith.constant 0 : index
      %get3A_250 = tpu.vector_load %arg7[%get3A_248, %get3A_249] {strides = array<i32>} : memref<6400x16xf32, #tpu.memory_space<vmem>>, vector<1x16xf32>,
      %get3A_251 = vector.shape_cast %get3A_250 : vector<1x16xf32> to vector<16xf32>
      %add3A_252 = arith.addf %add3A_207, %get3A_251 : vector<16xf32>
      %add3A_253 = arith.constant 25 : i32
      %add3A_254 = arith.addi %mul3A_34, %add3A_253 : i32
      %add3A_255 = arith.constant 1 : i32
      %add3A_256 = arith.addi %add3A_254, %add3A_255 : i32
      %get3A_257 = arith.index_cast %add3A_256 : i32 to index
      %get3A_258 = arith.constant 0 : index
      %get3A_259 = tpu.vector_load %arg7[%get3A_257, %get3A_258] {strides = array<i32>} : memref<6400x16xf32, #tpu.memory_space<vmem>>, vector<1x16xf32>,
      %get3A_260 = vector.shape_cast %get3A_259 : vector<1x16xf32> to vector<16xf32>
      %add3A_261 = arith.addf %add3A_216, %get3A_260 : vector<16xf32>
      %add3A_262 = arith.constant 25 : i32
      %add3A_263 = arith.addi %mul3A_34, %add3A_262 : i32
      %add3A_264 = arith.constant 2 : i32
      %add3A_265 = arith.addi %add3A_263, %add3A_264 : i32
      %get3A_266 = arith.index_cast %add3A_265 : i32 to index
      %get3A_267 = arith.constant 0 : index
      %get3A_268 = tpu.vector_load %arg7[%get3A_266, %get3A_267] {strides = array<i32>} : memref<6400x16xf32, #tpu.memory_space<vmem>>, vector<1x16xf32>,
      %get3A_269 = vector.shape_cast %get3A_268 : vector<1x16xf32> to vector<16xf32>
      %add3A_270 = arith.addf %add3A_225, %get3A_269 : vector<16xf32>
      %add3A_271 = arith.constant 25 : i32
      %add3A_272 = arith.addi %mul3A_34, %add3A_271 : i32
      %add3A_273 = arith.constant 3 : i32
      %add3A_274 = arith.addi %add3A_272, %add3A_273 : i32
      %get3A_275 = arith.index_cast %add3A_274 : i32 to index
      %get3A_276 = arith.constant 0 : index
      %get3A_277 = tpu.vector_load %arg7[%get3A_275, %get3A_276] {strides = array<i32>} : memref<6400x16xf32, #tpu.memory_space<vmem>>, vector<1x16xf32>,
      %get3A_278 = vector.shape_cast %get3A_277 : vector<1x16xf32> to vector<16xf32>
      %add3A_279 = arith.addf %add3A_234, %get3A_278 : vector<16xf32>
      %add3A_280 = arith.constant 25 : i32
      %add3A_281 = arith.addi %mul3A_34, %add3A_280 : i32
      %add3A_282 = arith.constant 4 : i32
      %add3A_283 = arith.addi %add3A_281, %add3A_282 : i32
      %get3A_284 = arith.index_cast %add3A_283 : i32 to index
      %get3A_285 = arith.constant 0 : index
      %get3A_286 = tpu.vector_load %arg7[%get3A_284, %get3A_285] {strides = array<i32>} : memref<6400x16xf32, #tpu.memory_space<vmem>>, vector<1x16xf32>,
      %get3A_287 = vector.shape_cast %get3A_286 : vector<1x16xf32> to vector<16xf32>
      %add3A_288 = arith.addf %add3A_243, %get3A_287 : vector<16xf32>
      %add3A_289 = arith.constant 30 : i32
      %add3A_290 = arith.addi %mul3A_34, %add3A_289 : i32
      %add3A_291 = arith.constant 0 : i32
      %add3A_292 = arith.addi %add3A_290, %add3A_291 : i32
      %get3A_293 = arith.index_cast %add3A_292 : i32 to index
      %get3A_294 = arith.constant 0 : index
      %get3A_295 = tpu.vector_load %arg7[%get3A_293, %get3A_294] {strides = array<i32>} : memref<6400x16xf32, #tpu.memory_space<vmem>>, vector<1x16xf32>,
      %get3A_296 = vector.shape_cast %get3A_295 : vector<1x16xf32> to vector<16xf32>
      %add3A_297 = arith.addf %add3A_252, %get3A_296 : vector<16xf32>
      %add3A_298 = arith.constant 30 : i32
      %add3A_299 = arith.addi %mul3A_34, %add3A_298 : i32
      %add3A_300 = arith.constant 1 : i32
      %add3A_301 = arith.addi %add3A_299, %add3A_300 : i32
      %get3A_302 = arith.index_cast %add3A_301 : i32 to index
      %get3A_303 = arith.constant 0 : index
      %get3A_304 = tpu.vector_load %arg7[%get3A_302, %get3A_303] {strides = array<i32>} : memref<6400x16xf32, #tpu.memory_space<vmem>>, vector<1x16xf32>,
      %get3A_305 = vector.shape_cast %get3A_304 : vector<1x16xf32> to vector<16xf32>
      %add3A_306 = arith.addf %add3A_261, %get3A_305 : vector<16xf32>
      %add3A_307 = arith.constant 30 : i32
      %add3A_308 = arith.addi %mul3A_34, %add3A_307 : i32
      %add3A_309 = arith.constant 2 : i32
      %add3A_310 = arith.addi %add3A_308, %add3A_309 : i32
      %get3A_311 = arith.index_cast %add3A_310 : i32 to index
      %get3A_312 = arith.constant 0 : index
      %get3A_313 = tpu.vector_load %arg7[%get3A_311, %get3A_312] {strides = array<i32>} : memref<6400x16xf32, #tpu.memory_space<vmem>>, vector<1x16xf32>,
      %get3A_314 = vector.shape_cast %get3A_313 : vector<1x16xf32> to vector<16xf32>
      %add3A_315 = arith.addf %add3A_270, %get3A_314 : vector<16xf32>
      %add3A_316 = arith.constant 30 : i32
      %add3A_317 = arith.addi %mul3A_34, %add3A_316 : i32
      %add3A_318 = arith.constant 3 : i32
      %add3A_319 = arith.addi %add3A_317, %add3A_318 : i32
      %get3A_320 = arith.index_cast %add3A_319 : i32 to index
      %get3A_321 = arith.constant 0 : index
      %get3A_322 = tpu.vector_load %arg7[%get3A_320, %get3A_321] {strides = array<i32>} : memref<6400x16xf32, #tpu.memory_space<vmem>>, vector<1x16xf32>,
      %get3A_323 = vector.shape_cast %get3A_322 : vector<1x16xf32> to vector<16xf32>
      %add3A_324 = arith.addf %add3A_279, %get3A_323 : vector<16xf32>
      %add3A_325 = arith.constant 30 : i32
      %add3A_326 = arith.addi %mul3A_34, %add3A_325 : i32
      %add3A_327 = arith.constant 4 : i32
      %add3A_328 = arith.addi %add3A_326, %add3A_327 : i32
      %get3A_329 = arith.index_cast %add3A_328 : i32 to index
      %get3A_330 = arith.constant 0 : index
      %get3A_331 = tpu.vector_load %arg7[%get3A_329, %get3A_330] {strides = array<i32>} : memref<6400x16xf32, #tpu.memory_space<vmem>>, vector<1x16xf32>,
      %get3A_332 = vector.shape_cast %get3A_331 : vector<1x16xf32> to vector<16xf32>
      %add3A_333 = arith.addf %add3A_288, %get3A_332 : vector<16xf32>
      %add3A_334 = arith.constant 35 : i32
      %add3A_335 = arith.addi %mul3A_34, %add3A_334 : i32
      %add3A_336 = arith.constant 0 : i32
      %add3A_337 = arith.addi %add3A_335, %add3A_336 : i32
      %get3A_338 = arith.index_cast %add3A_337 : i32 to index
      %get3A_339 = arith.constant 0 : index
      %get3A_340 = tpu.vector_load %arg7[%get3A_338, %get3A_339] {strides = array<i32>} : memref<6400x16xf32, #tpu.memory_space<vmem>>, vector<1x16xf32>,
      %get3A_341 = vector.shape_cast %get3A_340 : vector<1x16xf32> to vector<16xf32>
      %add3A_342 = arith.addf %add3A_297, %get3A_341 : vector<16xf32>
      %add3A_343 = arith.constant 35 : i32
      %add3A_344 = arith.addi %mul3A_34, %add3A_343 : i32
      %add3A_345 = arith.constant 1 : i32
      %add3A_346 = arith.addi %add3A_344, %add3A_345 : i32
      %get3A_347 = arith.index_cast %add3A_346 : i32 to index
      %get3A_348 = arith.constant 0 : index
      %get3A_349 = tpu.vector_load %arg7[%get3A_347, %get3A_348] {strides = array<i32>} : memref<6400x16xf32, #tpu.memory_space<vmem>>, vector<1x16xf32>,
      %get3A_350 = vector.shape_cast %get3A_349 : vector<1x16xf32> to vector<16xf32>
      %add3A_351 = arith.addf %add3A_306, %get3A_350 : vector<16xf32>
      %add3A_352 = arith.constant 35 : i32
      %add3A_353 = arith.addi %mul3A_34, %add3A_352 : i32
      %add3A_354 = arith.constant 2 : i32
      %add3A_355 = arith.addi %add3A_353, %add3A_354 : i32
      %get3A_356 = arith.index_cast %add3A_355 : i32 to index
      %get3A_357 = arith.constant 0 : index
      %get3A_358 = tpu.vector_load %arg7[%get3A_356, %get3A_357] {strides = array<i32>} : memref<6400x16xf32, #tpu.memory_space<vmem>>, vector<1x16xf32>,
      %get3A_359 = vector.shape_cast %get3A_358 : vector<1x16xf32> to vector<16xf32>
      %add3A_360 = arith.addf %add3A_315, %get3A_359 : vector<16xf32>
      %add3A_361 = arith.constant 35 : i32
      %add3A_362 = arith.addi %mul3A_34, %add3A_361 : i32
      %add3A_363 = arith.constant 3 : i32
      %add3A_364 = arith.addi %add3A_362, %add3A_363 : i32
      %get3A_365 = arith.index_cast %add3A_364 : i32 to index
      %get3A_366 = arith.constant 0 : index
      %get3A_367 = tpu.vector_load %arg7[%get3A_365, %get3A_366] {strides = array<i32>} : memref<6400x16xf32, #tpu.memory_space<vmem>>, vector<1x16xf32>,
      %get3A_368 = vector.shape_cast %get3A_367 : vector<1x16xf32> to vector<16xf32>
      %add3A_369 = arith.addf %add3A_324, %get3A_368 : vector<16xf32>
      %add3A_370 = arith.constant 35 : i32
      %add3A_371 = arith.addi %mul3A_34, %add3A_370 : i32
      %add3A_372 = arith.constant 4 : i32
      %add3A_373 = arith.addi %add3A_371, %add3A_372 : i32
      %get3A_374 = arith.index_cast %add3A_373 : i32 to index
      %get3A_375 = arith.constant 0 : index
      %get3A_376 = tpu.vector_load %arg7[%get3A_374, %get3A_375] {strides = array<i32>} : memref<6400x16xf32, #tpu.memory_space<vmem>>, vector<1x16xf32>,
      %get3A_377 = vector.shape_cast %get3A_376 : vector<1x16xf32> to vector<16xf32>
      %add3A_378 = arith.addf %add3A_333, %get3A_377 : vector<16xf32>
      %add3A_379 = arith.constant 40 : i32
      %add3A_380 = arith.addi %mul3A_34, %add3A_379 : i32
      %add3A_381 = arith.constant 0 : i32
      %add3A_382 = arith.addi %add3A_380, %add3A_381 : i32
      %get3A_383 = arith.index_cast %add3A_382 : i32 to index
      %get3A_384 = arith.constant 0 : index
      %get3A_385 = tpu.vector_load %arg7[%get3A_383, %get3A_384] {strides = array<i32>} : memref<6400x16xf32, #tpu.memory_space<vmem>>, vector<1x16xf32>,
      %get3A_386 = vector.shape_cast %get3A_385 : vector<1x16xf32> to vector<16xf32>
      %add3A_387 = arith.addf %add3A_342, %get3A_386 : vector<16xf32>
      %add3A_388 = arith.constant 40 : i32
      %add3A_389 = arith.addi %mul3A_34, %add3A_388 : i32
      %add3A_390 = arith.constant 1 : i32
      %add3A_391 = arith.addi %add3A_389, %add3A_390 : i32
      %get3A_392 = arith.index_cast %add3A_391 : i32 to index
      %get3A_393 = arith.constant 0 : index
      %get3A_394 = tpu.vector_load %arg7[%get3A_392, %get3A_393] {strides = array<i32>} : memref<6400x16xf32, #tpu.memory_space<vmem>>, vector<1x16xf32>,
      %get3A_395 = vector.shape_cast %get3A_394 : vector<1x16xf32> to vector<16xf32>
      %add3A_396 = arith.addf %add3A_351, %get3A_395 : vector<16xf32>
      %add3A_397 = arith.constant 40 : i32
      %add3A_398 = arith.addi %mul3A_34, %add3A_397 : i32
      %add3A_399 = arith.constant 2 : i32
      %add3A_400 = arith.addi %add3A_398, %add3A_399 : i32
      %get3A_401 = arith.index_cast %add3A_400 : i32 to index
      %get3A_402 = arith.constant 0 : index
      %get3A_403 = tpu.vector_load %arg7[%get3A_401, %get3A_402] {strides = array<i32>} : memref<6400x16xf32, #tpu.memory_space<vmem>>, vector<1x16xf32>,
      %get3A_404 = vector.shape_cast %get3A_403 : vector<1x16xf32> to vector<16xf32>
      %add3A_405 = arith.addf %add3A_360, %get3A_404 : vector<16xf32>
      %add3A_406 = arith.constant 40 : i32
      %add3A_407 = arith.addi %mul3A_34, %add3A_406 : i32
      %add3A_408 = arith.constant 3 : i32
      %add3A_409 = arith.addi %add3A_407, %add3A_408 : i32
      %get3A_410 = arith.index_cast %add3A_409 : i32 to index
      %get3A_411 = arith.constant 0 : index
      %get3A_412 = tpu.vector_load %arg7[%get3A_410, %get3A_411] {strides = array<i32>} : memref<6400x16xf32, #tpu.memory_space<vmem>>, vector<1x16xf32>,
      %get3A_413 = vector.shape_cast %get3A_412 : vector<1x16xf32> to vector<16xf32>
      %add3A_414 = arith.addf %add3A_369, %get3A_413 : vector<16xf32>
      %add3A_415 = arith.constant 40 : i32
      %add3A_416 = arith.addi %mul3A_34, %add3A_415 : i32
      %add3A_417 = arith.constant 4 : i32
      %add3A_418 = arith.addi %add3A_416, %add3A_417 : i32
      %get3A_419 = arith.index_cast %add3A_418 : i32 to index
      %get3A_420 = arith.constant 0 : index
      %get3A_421 = tpu.vector_load %arg7[%get3A_419, %get3A_420] {strides = array<i32>} : memref<6400x16xf32, #tpu.memory_space<vmem>>, vector<1x16xf32>,
      %get3A_422 = vector.shape_cast %get3A_421 : vector<1x16xf32> to vector<16xf32>
      %add3A_423 = arith.addf %add3A_378, %get3A_422 : vector<16xf32>
      %add3A_424 = arith.constant 45 : i32
      %add3A_425 = arith.addi %mul3A_34, %add3A_424 : i32
      %add3A_426 = arith.constant 0 : i32
      %add3A_427 = arith.addi %add3A_425, %add3A_426 : i32
      %get3A_428 = arith.index_cast %add3A_427 : i32 to index
      %get3A_429 = arith.constant 0 : index
      %get3A_430 = tpu.vector_load %arg7[%get3A_428, %get3A_429] {strides = array<i32>} : memref<6400x16xf32, #tpu.memory_space<vmem>>, vector<1x16xf32>,
      %get3A_431 = vector.shape_cast %get3A_430 : vector<1x16xf32> to vector<16xf32>
      %add3A_432 = arith.addf %add3A_387, %get3A_431 : vector<16xf32>
      %add3A_433 = arith.constant 45 : i32
      %add3A_434 = arith.addi %mul3A_34, %add3A_433 : i32
      %add3A_435 = arith.constant 1 : i32
      %add3A_436 = arith.addi %add3A_434, %add3A_435 : i32
      %get3A_437 = arith.index_cast %add3A_436 : i32 to index
      %get3A_438 = arith.constant 0 : index
      %get3A_439 = tpu.vector_load %arg7[%get3A_437, %get3A_438] {strides = array<i32>} : memref<6400x16xf32, #tpu.memory_space<vmem>>, vector<1x16xf32>,
      %get3A_440 = vector.shape_cast %get3A_439 : vector<1x16xf32> to vector<16xf32>
      %add3A_441 = arith.addf %add3A_396, %get3A_440 : vector<16xf32>
      %add3A_442 = arith.constant 45 : i32
      %add3A_443 = arith.addi %mul3A_34, %add3A_442 : i32
      %add3A_444 = arith.constant 2 : i32
      %add3A_445 = arith.addi %add3A_443, %add3A_444 : i32
      %get3A_446 = arith.index_cast %add3A_445 : i32 to index
      %get3A_447 = arith.constant 0 : index
      %get3A_448 = tpu.vector_load %arg7[%get3A_446, %get3A_447] {strides = array<i32>} : memref<6400x16xf32, #tpu.memory_space<vmem>>, vector<1x16xf32>,
      %get3A_449 = vector.shape_cast %get3A_448 : vector<1x16xf32> to vector<16xf32>
      %add3A_450 = arith.addf %add3A_405, %get3A_449 : vector<16xf32>
      %add3A_451 = arith.constant 45 : i32
      %add3A_452 = arith.addi %mul3A_34, %add3A_451 : i32
      %add3A_453 = arith.constant 3 : i32
      %add3A_454 = arith.addi %add3A_452, %add3A_453 : i32
      %get3A_455 = arith.index_cast %add3A_454 : i32 to index
      %get3A_456 = arith.constant 0 : index
      %get3A_457 = tpu.vector_load %arg7[%get3A_455, %get3A_456] {strides = array<i32>} : memref<6400x16xf32, #tpu.memory_space<vmem>>, vector<1x16xf32>,
      %get3A_458 = vector.shape_cast %get3A_457 : vector<1x16xf32> to vector<16xf32>
      %add3A_459 = arith.addf %add3A_414, %get3A_458 : vector<16xf32>
      %add3A_460 = arith.constant 45 : i32
      %add3A_461 = arith.addi %mul3A_34, %add3A_460 : i32
      %add3A_462 = arith.constant 4 : i32
      %add3A_463 = arith.addi %add3A_461, %add3A_462 : i32
      %get3A_464 = arith.index_cast %add3A_463 : i32 to index
      %get3A_465 = arith.constant 0 : index
      %get3A_466 = tpu.vector_load %arg7[%get3A_464, %get3A_465] {strides = array<i32>} : memref<6400x16xf32, #tpu.memory_space<vmem>>, vector<1x16xf32>,
      %get3A_467 = vector.shape_cast %get3A_466 : vector<1x16xf32> to vector<16xf32>
      %add3A_468 = arith.addf %add3A_423, %get3A_467 : vector<16xf32>
      %add3A_469 = arith.addf %add3A_432, %add3A_441 : vector<16xf32>
      %add3A_470 = arith.addf %add3A_450, %add3A_459 : vector<16xf32>
      %add3A_471 = arith.addf %add3A_469, %add3A_470 : vector<16xf32>
      %get3A_472 = arith.constant 0 : index
      %get3A_473 = tpu.vector_load %arg9[%get3A_472] {strides = array<i32>} : memref<16xf32, #tpu.memory_space<vmem>>, vector<16xf32>,
      %get3A_474 = vector.shape_cast %get3A_473 : vector<16xf32> to vector<16xf32>
      %add3A_475 = arith.addf %add3A_468, %get3A_474 : vector<16xf32>
      %add3A_476 = arith.addf %add3A_471, %add3A_475 : vector<16xf32>
      %swap3A = arith.index_cast %scan3A_32 : i32 to index
      %swap3A_477 = arith.constant 0 : index
      %swap3A_478 = tpu.vector_load %arg8[%swap3A, %swap3A_477] {strides = array<i32>} : memref<128x16xf32, #tpu.memory_space<vmem>>, vector<1x16xf32>,
      %swap3A_479 = vector.shape_cast %swap3A_478 : vector<1x16xf32> to vector<16xf32>
      %swap3A_480 = vector.shape_cast %add3A_476 : vector<16xf32> to vector<1x16xf32>
      tpu.vector_store %arg8[%swap3A, %swap3A_477], %swap3A_480 {strides = array<i32>} : memref<128x16xf32, #tpu.memory_space<vmem>>, vector<1x16xf32>,
    }
    %scan3A_17 = arith.constant 64 : i32
    %scan3A_18 = arith.constant 0 : i32
    %scan3A_19 = arith.constant 25 : i32
    %scan3A_20 = arith.constant 25 : i32
    %scan3A_21 = arith.addi %scan3A_19, %scan3A_20 : i32
    %scan3A_22 = arith.constant 1 : i32
    scf.for %scan3A_32 = %scan3A_19 to %scan3A_21 step %scan3A_22  : i32 {
      %mul3A_33 = arith.constant 128 : i32
      %mul3A_34 = arith.muli %scan3A_32, %mul3A_33 : i32
      %mul3A_35 = arith.constant 128 : i32
      %mul3A_36 = arith.muli %scan3A_32, %mul3A_35 : i32
      %dma_wait3A = arith.constant 0 : i32
      %dma_wait3A_37 = tpu.memref_slice %arg7[%mul3A_36, %dma_wait3A] : memref<6400x16xf32, #tpu.memory_space<vmem>> -> memref<128x16xf32, #tpu.memory_space<vmem>>
      %dma_wait3A_38 = tpu.memref_slice %arg6[%mul3A_34] : memref<6400xi32, #tpu.memory_space<vmem>> -> memref<128xi32, #tpu.memory_space<vmem>>
      %dma_wait3A_39 = arith.constant 0 : i32
      %dma_wait3A_40 = arith.constant 0 : i32
      %dma_wait3A_41 = tpu.memref_slice %arg2[%dma_wait3A_39, %dma_wait3A_40] : memref<102400x16xf32, #tpu.memory_space<hbm>> -> memref<102400x16xf32, #tpu.memory_space<hbm>>
      tpu.wait_indirect_dma semaphore(%arg10 : memref<!tpu.dma_semaphore, #tpu.memory_space<semaphore_mem>>) src(%dma_wait3A_41 : memref<102400x16xf32, #tpu.memory_space<hbm>>) dst(%dma_wait3A_37 : memref<128x16xf32, #tpu.memory_space<vmem>>)
    }
    %scan3A_23 = arith.constant 25 : i32
    %scan3A_24 = arith.constant 0 : i32
    %scan3A_25 = arith.constant 64 : i32
    %scan3A_26 = arith.constant 64 : i32
    %scan3A_27 = arith.addi %scan3A_25, %scan3A_26 : i32
    %scan3A_28 = arith.constant 1 : i32
    scf.for %scan3A_32 = %scan3A_25 to %scan3A_27 step %scan3A_28  : i32 {
      %mul3A_33 = arith.constant 50 : i32
      %mul3A_34 = arith.muli %scan3A_32, %mul3A_33 : i32
      %add3A_35 = arith.constant 0 : i32
      %add3A_36 = arith.addi %mul3A_34, %add3A_35 : i32
      %get3A = arith.index_cast %add3A_36 : i32 to index
      %get3A_37 = arith.constant 0 : index
      %get3A_38 = tpu.vector_load %arg7[%get3A, %get3A_37] {strides = array<i32>} : memref<6400x16xf32, #tpu.memory_space<vmem>>, vector<1x16xf32>,
      %get3A_39 = vector.shape_cast %get3A_38 : vector<1x16xf32> to vector<16xf32>
      %add3A_40 = arith.constant 1 : i32
      %add3A_41 = arith.addi %mul3A_34, %add3A_40 : i32
      %get3A_42 = arith.index_cast %add3A_41 : i32 to index
      %get3A_43 = arith.constant 0 : index
      %get3A_44 = tpu.vector_load %arg7[%get3A_42, %get3A_43] {strides = array<i32>} : memref<6400x16xf32, #tpu.memory_space<vmem>>, vector<1x16xf32>,
      %get3A_45 = vector.shape_cast %get3A_44 : vector<1x16xf32> to vector<16xf32>
      %add3A_46 = arith.constant 2 : i32
      %add3A_47 = arith.addi %mul3A_34, %add3A_46 : i32
      %get3A_48 = arith.index_cast %add3A_47 : i32 to index
      %get3A_49 = arith.constant 0 : index
      %get3A_50 = tpu.vector_load %arg7[%get3A_48, %get3A_49] {strides = array<i32>} : memref<6400x16xf32, #tpu.memory_space<vmem>>, vector<1x16xf32>,
      %get3A_51 = vector.shape_cast %get3A_50 : vector<1x16xf32> to vector<16xf32>
      %add3A_52 = arith.constant 3 : i32
      %add3A_53 = arith.addi %mul3A_34, %add3A_52 : i32
      %get3A_54 = arith.index_cast %add3A_53 : i32 to index
      %get3A_55 = arith.constant 0 : index
      %get3A_56 = tpu.vector_load %arg7[%get3A_54, %get3A_55] {strides = array<i32>} : memref<6400x16xf32, #tpu.memory_space<vmem>>, vector<1x16xf32>,
      %get3A_57 = vector.shape_cast %get3A_56 : vector<1x16xf32> to vector<16xf32>
      %add3A_58 = arith.constant 4 : i32
      %add3A_59 = arith.addi %mul3A_34, %add3A_58 : i32
      %get3A_60 = arith.index_cast %add3A_59 : i32 to index
      %get3A_61 = arith.constant 0 : index
      %get3A_62 = tpu.vector_load %arg7[%get3A_60, %get3A_61] {strides = array<i32>} : memref<6400x16xf32, #tpu.memory_space<vmem>>, vector<1x16xf32>,
      %get3A_63 = vector.shape_cast %get3A_62 : vector<1x16xf32> to vector<16xf32>
      %add3A_64 = arith.constant 5 : i32
      %add3A_65 = arith.addi %mul3A_34, %add3A_64 : i32
      %add3A_66 = arith.constant 0 : i32
      %add3A_67 = arith.addi %add3A_65, %add3A_66 : i32
      %get3A_68 = arith.index_cast %add3A_67 : i32 to index
      %get3A_69 = arith.constant 0 : index
      %get3A_70 = tpu.vector_load %arg7[%get3A_68, %get3A_69] {strides = array<i32>} : memref<6400x16xf32, #tpu.memory_space<vmem>>, vector<1x16xf32>,
      %get3A_71 = vector.shape_cast %get3A_70 : vector<1x16xf32> to vector<16xf32>
      %add3A_72 = arith.addf %get3A_39, %get3A_71 : vector<16xf32>
      %add3A_73 = arith.constant 5 : i32
      %add3A_74 = arith.addi %mul3A_34, %add3A_73 : i32
      %add3A_75 = arith.constant 1 : i32
      %add3A_76 = arith.addi %add3A_74, %add3A_75 : i32
      %get3A_77 = arith.index_cast %add3A_76 : i32 to index
      %get3A_78 = arith.constant 0 : index
      %get3A_79 = tpu.vector_load %arg7[%get3A_77, %get3A_78] {strides = array<i32>} : memref<6400x16xf32, #tpu.memory_space<vmem>>, vector<1x16xf32>,
      %get3A_80 = vector.shape_cast %get3A_79 : vector<1x16xf32> to vector<16xf32>
      %add3A_81 = arith.addf %get3A_45, %get3A_80 : vector<16xf32>
      %add3A_82 = arith.constant 5 : i32
      %add3A_83 = arith.addi %mul3A_34, %add3A_82 : i32
      %add3A_84 = arith.constant 2 : i32
      %add3A_85 = arith.addi %add3A_83, %add3A_84 : i32
      %get3A_86 = arith.index_cast %add3A_85 : i32 to index
      %get3A_87 = arith.constant 0 : index
      %get3A_88 = tpu.vector_load %arg7[%get3A_86, %get3A_87] {strides = array<i32>} : memref<6400x16xf32, #tpu.memory_space<vmem>>, vector<1x16xf32>,
      %get3A_89 = vector.shape_cast %get3A_88 : vector<1x16xf32> to vector<16xf32>
      %add3A_90 = arith.addf %get3A_51, %get3A_89 : vector<16xf32>
      %add3A_91 = arith.constant 5 : i32
      %add3A_92 = arith.addi %mul3A_34, %add3A_91 : i32
      %add3A_93 = arith.constant 3 : i32
      %add3A_94 = arith.addi %add3A_92, %add3A_93 : i32
      %get3A_95 = arith.index_cast %add3A_94 : i32 to index
      %get3A_96 = arith.constant 0 : index
      %get3A_97 = tpu.vector_load %arg7[%get3A_95, %get3A_96] {strides = array<i32>} : memref<6400x16xf32, #tpu.memory_space<vmem>>, vector<1x16xf32>,
      %get3A_98 = vector.shape_cast %get3A_97 : vector<1x16xf32> to vector<16xf32>
      %add3A_99 = arith.addf %get3A_57, %get3A_98 : vector<16xf32>
      %add3A_100 = arith.constant 5 : i32
      %add3A_101 = arith.addi %mul3A_34, %add3A_100 : i32
      %add3A_102 = arith.constant 4 : i32
      %add3A_103 = arith.addi %add3A_101, %add3A_102 : i32
      %get3A_104 = arith.index_cast %add3A_103 : i32 to index
      %get3A_105 = arith.constant 0 : index
      %get3A_106 = tpu.vector_load %arg7[%get3A_104, %get3A_105] {strides = array<i32>} : memref<6400x16xf32, #tpu.memory_space<vmem>>, vector<1x16xf32>,
      %get3A_107 = vector.shape_cast %get3A_106 : vector<1x16xf32> to vector<16xf32>
      %add3A_108 = arith.addf %get3A_63, %get3A_107 : vector<16xf32>
      %add3A_109 = arith.constant 10 : i32
      %add3A_110 = arith.addi %mul3A_34, %add3A_109 : i32
      %add3A_111 = arith.constant 0 : i32
      %add3A_112 = arith.addi %add3A_110, %add3A_111 : i32
      %get3A_113 = arith.index_cast %add3A_112 : i32 to index
      %get3A_114 = arith.constant 0 : index
      %get3A_115 = tpu.vector_load %arg7[%get3A_113, %get3A_114] {strides = array<i32>} : memref<6400x16xf32, #tpu.memory_space<vmem>>, vector<1x16xf32>,
      %get3A_116 = vector.shape_cast %get3A_115 : vector<1x16xf32> to vector<16xf32>
      %add3A_117 = arith.addf %add3A_72, %get3A_116 : vector<16xf32>
      %add3A_118 = arith.constant 10 : i32
      %add3A_119 = arith.addi %mul3A_34, %add3A_118 : i32
      %add3A_120 = arith.constant 1 : i32
      %add3A_121 = arith.addi %add3A_119, %add3A_120 : i32
      %get3A_122 = arith.index_cast %add3A_121 : i32 to index
      %get3A_123 = arith.constant 0 : index
      %get3A_124 = tpu.vector_load %arg7[%get3A_122, %get3A_123] {strides = array<i32>} : memref<6400x16xf32, #tpu.memory_space<vmem>>, vector<1x16xf32>,
      %get3A_125 = vector.shape_cast %get3A_124 : vector<1x16xf32> to vector<16xf32>
      %add3A_126 = arith.addf %add3A_81, %get3A_125 : vector<16xf32>
      %add3A_127 = arith.constant 10 : i32
      %add3A_128 = arith.addi %mul3A_34, %add3A_127 : i32
      %add3A_129 = arith.constant 2 : i32
      %add3A_130 = arith.addi %add3A_128, %add3A_129 : i32
      %get3A_131 = arith.index_cast %add3A_130 : i32 to index
      %get3A_132 = arith.constant 0 : index
      %get3A_133 = tpu.vector_load %arg7[%get3A_131, %get3A_132] {strides = array<i32>} : memref<6400x16xf32, #tpu.memory_space<vmem>>, vector<1x16xf32>,
      %get3A_134 = vector.shape_cast %get3A_133 : vector<1x16xf32> to vector<16xf32>
      %add3A_135 = arith.addf %add3A_90, %get3A_134 : vector<16xf32>
      %add3A_136 = arith.constant 10 : i32
      %add3A_137 = arith.addi %mul3A_34, %add3A_136 : i32
      %add3A_138 = arith.constant 3 : i32
      %add3A_139 = arith.addi %add3A_137, %add3A_138 : i32
      %get3A_140 = arith.index_cast %add3A_139 : i32 to index
      %get3A_141 = arith.constant 0 : index
      %get3A_142 = tpu.vector_load %arg7[%get3A_140, %get3A_141] {strides = array<i32>} : memref<6400x16xf32, #tpu.memory_space<vmem>>, vector<1x16xf32>,
      %get3A_143 = vector.shape_cast %get3A_142 : vector<1x16xf32> to vector<16xf32>
      %add3A_144 = arith.addf %add3A_99, %get3A_143 : vector<16xf32>
      %add3A_145 = arith.constant 10 : i32
      %add3A_146 = arith.addi %mul3A_34, %add3A_145 : i32
      %add3A_147 = arith.constant 4 : i32
      %add3A_148 = arith.addi %add3A_146, %add3A_147 : i32
      %get3A_149 = arith.index_cast %add3A_148 : i32 to index
      %get3A_150 = arith.constant 0 : index
      %get3A_151 = tpu.vector_load %arg7[%get3A_149, %get3A_150] {strides = array<i32>} : memref<6400x16xf32, #tpu.memory_space<vmem>>, vector<1x16xf32>,
      %get3A_152 = vector.shape_cast %get3A_151 : vector<1x16xf32> to vector<16xf32>
      %add3A_153 = arith.addf %add3A_108, %get3A_152 : vector<16xf32>
      %add3A_154 = arith.constant 15 : i32
      %add3A_155 = arith.addi %mul3A_34, %add3A_154 : i32
      %add3A_156 = arith.constant 0 : i32
      %add3A_157 = arith.addi %add3A_155, %add3A_156 : i32
      %get3A_158 = arith.index_cast %add3A_157 : i32 to index
      %get3A_159 = arith.constant 0 : index
      %get3A_160 = tpu.vector_load %arg7[%get3A_158, %get3A_159] {strides = array<i32>} : memref<6400x16xf32, #tpu.memory_space<vmem>>, vector<1x16xf32>,
      %get3A_161 = vector.shape_cast %get3A_160 : vector<1x16xf32> to vector<16xf32>
      %add3A_162 = arith.addf %add3A_117, %get3A_161 : vector<16xf32>
      %add3A_163 = arith.constant 15 : i32
      %add3A_164 = arith.addi %mul3A_34, %add3A_163 : i32
      %add3A_165 = arith.constant 1 : i32
      %add3A_166 = arith.addi %add3A_164, %add3A_165 : i32
      %get3A_167 = arith.index_cast %add3A_166 : i32 to index
      %get3A_168 = arith.constant 0 : index
      %get3A_169 = tpu.vector_load %arg7[%get3A_167, %get3A_168] {strides = array<i32>} : memref<6400x16xf32, #tpu.memory_space<vmem>>, vector<1x16xf32>,
      %get3A_170 = vector.shape_cast %get3A_169 : vector<1x16xf32> to vector<16xf32>
      %add3A_171 = arith.addf %add3A_126, %get3A_170 : vector<16xf32>
      %add3A_172 = arith.constant 15 : i32
      %add3A_173 = arith.addi %mul3A_34, %add3A_172 : i32
      %add3A_174 = arith.constant 2 : i32
      %add3A_175 = arith.addi %add3A_173, %add3A_174 : i32
      %get3A_176 = arith.index_cast %add3A_175 : i32 to index
      %get3A_177 = arith.constant 0 : index
      %get3A_178 = tpu.vector_load %arg7[%get3A_176, %get3A_177] {strides = array<i32>} : memref<6400x16xf32, #tpu.memory_space<vmem>>, vector<1x16xf32>,
      %get3A_179 = vector.shape_cast %get3A_178 : vector<1x16xf32> to vector<16xf32>
      %add3A_180 = arith.addf %add3A_135, %get3A_179 : vector<16xf32>
      %add3A_181 = arith.constant 15 : i32
      %add3A_182 = arith.addi %mul3A_34, %add3A_181 : i32
      %add3A_183 = arith.constant 3 : i32
      %add3A_184 = arith.addi %add3A_182, %add3A_183 : i32
      %get3A_185 = arith.index_cast %add3A_184 : i32 to index
      %get3A_186 = arith.constant 0 : index
      %get3A_187 = tpu.vector_load %arg7[%get3A_185, %get3A_186] {strides = array<i32>} : memref<6400x16xf32, #tpu.memory_space<vmem>>, vector<1x16xf32>,
      %get3A_188 = vector.shape_cast %get3A_187 : vector<1x16xf32> to vector<16xf32>
      %add3A_189 = arith.addf %add3A_144, %get3A_188 : vector<16xf32>
      %add3A_190 = arith.constant 15 : i32
      %add3A_191 = arith.addi %mul3A_34, %add3A_190 : i32
      %add3A_192 = arith.constant 4 : i32
      %add3A_193 = arith.addi %add3A_191, %add3A_192 : i32
      %get3A_194 = arith.index_cast %add3A_193 : i32 to index
      %get3A_195 = arith.constant 0 : index
      %get3A_196 = tpu.vector_load %arg7[%get3A_194, %get3A_195] {strides = array<i32>} : memref<6400x16xf32, #tpu.memory_space<vmem>>, vector<1x16xf32>,
      %get3A_197 = vector.shape_cast %get3A_196 : vector<1x16xf32> to vector<16xf32>
      %add3A_198 = arith.addf %add3A_153, %get3A_197 : vector<16xf32>
      %add3A_199 = arith.constant 20 : i32
      %add3A_200 = arith.addi %mul3A_34, %add3A_199 : i32
      %add3A_201 = arith.constant 0 : i32
      %add3A_202 = arith.addi %add3A_200, %add3A_201 : i32
      %get3A_203 = arith.index_cast %add3A_202 : i32 to index
      %get3A_204 = arith.constant 0 : index
      %get3A_205 = tpu.vector_load %arg7[%get3A_203, %get3A_204] {strides = array<i32>} : memref<6400x16xf32, #tpu.memory_space<vmem>>, vector<1x16xf32>,
      %get3A_206 = vector.shape_cast %get3A_205 : vector<1x16xf32> to vector<16xf32>
      %add3A_207 = arith.addf %add3A_162, %get3A_206 : vector<16xf32>
      %add3A_208 = arith.constant 20 : i32
      %add3A_209 = arith.addi %mul3A_34, %add3A_208 : i32
      %add3A_210 = arith.constant 1 : i32
      %add3A_211 = arith.addi %add3A_209, %add3A_210 : i32
      %get3A_212 = arith.index_cast %add3A_211 : i32 to index
      %get3A_213 = arith.constant 0 : index
      %get3A_214 = tpu.vector_load %arg7[%get3A_212, %get3A_213] {strides = array<i32>} : memref<6400x16xf32, #tpu.memory_space<vmem>>, vector<1x16xf32>,
      %get3A_215 = vector.shape_cast %get3A_214 : vector<1x16xf32> to vector<16xf32>
      %add3A_216 = arith.addf %add3A_171, %get3A_215 : vector<16xf32>
      %add3A_217 = arith.constant 20 : i32
      %add3A_218 = arith.addi %mul3A_34, %add3A_217 : i32
      %add3A_219 = arith.constant 2 : i32
      %add3A_220 = arith.addi %add3A_218, %add3A_219 : i32
      %get3A_221 = arith.index_cast %add3A_220 : i32 to index
      %get3A_222 = arith.constant 0 : index
      %get3A_223 = tpu.vector_load %arg7[%get3A_221, %get3A_222] {strides = array<i32>} : memref<6400x16xf32, #tpu.memory_space<vmem>>, vector<1x16xf32>,
      %get3A_224 = vector.shape_cast %get3A_223 : vector<1x16xf32> to vector<16xf32>
      %add3A_225 = arith.addf %add3A_180, %get3A_224 : vector<16xf32>
      %add3A_226 = arith.constant 20 : i32
      %add3A_227 = arith.addi %mul3A_34, %add3A_226 : i32
      %add3A_228 = arith.constant 3 : i32
      %add3A_229 = arith.addi %add3A_227, %add3A_228 : i32
      %get3A_230 = arith.index_cast %add3A_229 : i32 to index
      %get3A_231 = arith.constant 0 : index
      %get3A_232 = tpu.vector_load %arg7[%get3A_230, %get3A_231] {strides = array<i32>} : memref<6400x16xf32, #tpu.memory_space<vmem>>, vector<1x16xf32>,
      %get3A_233 = vector.shape_cast %get3A_232 : vector<1x16xf32> to vector<16xf32>
      %add3A_234 = arith.addf %add3A_189, %get3A_233 : vector<16xf32>
      %add3A_235 = arith.constant 20 : i32
      %add3A_236 = arith.addi %mul3A_34, %add3A_235 : i32
      %add3A_237 = arith.constant 4 : i32
      %add3A_238 = arith.addi %add3A_236, %add3A_237 : i32
      %get3A_239 = arith.index_cast %add3A_238 : i32 to index
      %get3A_240 = arith.constant 0 : index
      %get3A_241 = tpu.vector_load %arg7[%get3A_239, %get3A_240] {strides = array<i32>} : memref<6400x16xf32, #tpu.memory_space<vmem>>, vector<1x16xf32>,
      %get3A_242 = vector.shape_cast %get3A_241 : vector<1x16xf32> to vector<16xf32>
      %add3A_243 = arith.addf %add3A_198, %get3A_242 : vector<16xf32>
      %add3A_244 = arith.constant 25 : i32
      %add3A_245 = arith.addi %mul3A_34, %add3A_244 : i32
      %add3A_246 = arith.constant 0 : i32
      %add3A_247 = arith.addi %add3A_245, %add3A_246 : i32
      %get3A_248 = arith.index_cast %add3A_247 : i32 to index
      %get3A_249 = arith.constant 0 : index
      %get3A_250 = tpu.vector_load %arg7[%get3A_248, %get3A_249] {strides = array<i32>} : memref<6400x16xf32, #tpu.memory_space<vmem>>, vector<1x16xf32>,
      %get3A_251 = vector.shape_cast %get3A_250 : vector<1x16xf32> to vector<16xf32>
      %add3A_252 = arith.addf %add3A_207, %get3A_251 : vector<16xf32>
      %add3A_253 = arith.constant 25 : i32
      %add3A_254 = arith.addi %mul3A_34, %add3A_253 : i32
      %add3A_255 = arith.constant 1 : i32
      %add3A_256 = arith.addi %add3A_254, %add3A_255 : i32
      %get3A_257 = arith.index_cast %add3A_256 : i32 to index
      %get3A_258 = arith.constant 0 : index
      %get3A_259 = tpu.vector_load %arg7[%get3A_257, %get3A_258] {strides = array<i32>} : memref<6400x16xf32, #tpu.memory_space<vmem>>, vector<1x16xf32>,
      %get3A_260 = vector.shape_cast %get3A_259 : vector<1x16xf32> to vector<16xf32>
      %add3A_261 = arith.addf %add3A_216, %get3A_260 : vector<16xf32>
      %add3A_262 = arith.constant 25 : i32
      %add3A_263 = arith.addi %mul3A_34, %add3A_262 : i32
      %add3A_264 = arith.constant 2 : i32
      %add3A_265 = arith.addi %add3A_263, %add3A_264 : i32
      %get3A_266 = arith.index_cast %add3A_265 : i32 to index
      %get3A_267 = arith.constant 0 : index
      %get3A_268 = tpu.vector_load %arg7[%get3A_266, %get3A_267] {strides = array<i32>} : memref<6400x16xf32, #tpu.memory_space<vmem>>, vector<1x16xf32>,
      %get3A_269 = vector.shape_cast %get3A_268 : vector<1x16xf32> to vector<16xf32>
      %add3A_270 = arith.addf %add3A_225, %get3A_269 : vector<16xf32>
      %add3A_271 = arith.constant 25 : i32
      %add3A_272 = arith.addi %mul3A_34, %add3A_271 : i32
      %add3A_273 = arith.constant 3 : i32
      %add3A_274 = arith.addi %add3A_272, %add3A_273 : i32
      %get3A_275 = arith.index_cast %add3A_274 : i32 to index
      %get3A_276 = arith.constant 0 : index
      %get3A_277 = tpu.vector_load %arg7[%get3A_275, %get3A_276] {strides = array<i32>} : memref<6400x16xf32, #tpu.memory_space<vmem>>, vector<1x16xf32>,
      %get3A_278 = vector.shape_cast %get3A_277 : vector<1x16xf32> to vector<16xf32>
      %add3A_279 = arith.addf %add3A_234, %get3A_278 : vector<16xf32>
      %add3A_280 = arith.constant 25 : i32
      %add3A_281 = arith.addi %mul3A_34, %add3A_280 : i32
      %add3A_282 = arith.constant 4 : i32
      %add3A_283 = arith.addi %add3A_281, %add3A_282 : i32
      %get3A_284 = arith.index_cast %add3A_283 : i32 to index
      %get3A_285 = arith.constant 0 : index
      %get3A_286 = tpu.vector_load %arg7[%get3A_284, %get3A_285] {strides = array<i32>} : memref<6400x16xf32, #tpu.memory_space<vmem>>, vector<1x16xf32>,
      %get3A_287 = vector.shape_cast %get3A_286 : vector<1x16xf32> to vector<16xf32>
      %add3A_288 = arith.addf %add3A_243, %get3A_287 : vector<16xf32>
      %add3A_289 = arith.constant 30 : i32
      %add3A_290 = arith.addi %mul3A_34, %add3A_289 : i32
      %add3A_291 = arith.constant 0 : i32
      %add3A_292 = arith.addi %add3A_290, %add3A_291 : i32
      %get3A_293 = arith.index_cast %add3A_292 : i32 to index
      %get3A_294 = arith.constant 0 : index
      %get3A_295 = tpu.vector_load %arg7[%get3A_293, %get3A_294] {strides = array<i32>} : memref<6400x16xf32, #tpu.memory_space<vmem>>, vector<1x16xf32>,
      %get3A_296 = vector.shape_cast %get3A_295 : vector<1x16xf32> to vector<16xf32>
      %add3A_297 = arith.addf %add3A_252, %get3A_296 : vector<16xf32>
      %add3A_298 = arith.constant 30 : i32
      %add3A_299 = arith.addi %mul3A_34, %add3A_298 : i32
      %add3A_300 = arith.constant 1 : i32
      %add3A_301 = arith.addi %add3A_299, %add3A_300 : i32
      %get3A_302 = arith.index_cast %add3A_301 : i32 to index
      %get3A_303 = arith.constant 0 : index
      %get3A_304 = tpu.vector_load %arg7[%get3A_302, %get3A_303] {strides = array<i32>} : memref<6400x16xf32, #tpu.memory_space<vmem>>, vector<1x16xf32>,
      %get3A_305 = vector.shape_cast %get3A_304 : vector<1x16xf32> to vector<16xf32>
      %add3A_306 = arith.addf %add3A_261, %get3A_305 : vector<16xf32>
      %add3A_307 = arith.constant 30 : i32
      %add3A_308 = arith.addi %mul3A_34, %add3A_307 : i32
      %add3A_309 = arith.constant 2 : i32
      %add3A_310 = arith.addi %add3A_308, %add3A_309 : i32
      %get3A_311 = arith.index_cast %add3A_310 : i32 to index
      %get3A_312 = arith.constant 0 : index
      %get3A_313 = tpu.vector_load %arg7[%get3A_311, %get3A_312] {strides = array<i32>} : memref<6400x16xf32, #tpu.memory_space<vmem>>, vector<1x16xf32>,
      %get3A_314 = vector.shape_cast %get3A_313 : vector<1x16xf32> to vector<16xf32>
      %add3A_315 = arith.addf %add3A_270, %get3A_314 : vector<16xf32>
      %add3A_316 = arith.constant 30 : i32
      %add3A_317 = arith.addi %mul3A_34, %add3A_316 : i32
      %add3A_318 = arith.constant 3 : i32
      %add3A_319 = arith.addi %add3A_317, %add3A_318 : i32
      %get3A_320 = arith.index_cast %add3A_319 : i32 to index
      %get3A_321 = arith.constant 0 : index
      %get3A_322 = tpu.vector_load %arg7[%get3A_320, %get3A_321] {strides = array<i32>} : memref<6400x16xf32, #tpu.memory_space<vmem>>, vector<1x16xf32>,
      %get3A_323 = vector.shape_cast %get3A_322 : vector<1x16xf32> to vector<16xf32>
      %add3A_324 = arith.addf %add3A_279, %get3A_323 : vector<16xf32>
      %add3A_325 = arith.constant 30 : i32
      %add3A_326 = arith.addi %mul3A_34, %add3A_325 : i32
      %add3A_327 = arith.constant 4 : i32
      %add3A_328 = arith.addi %add3A_326, %add3A_327 : i32
      %get3A_329 = arith.index_cast %add3A_328 : i32 to index
      %get3A_330 = arith.constant 0 : index
      %get3A_331 = tpu.vector_load %arg7[%get3A_329, %get3A_330] {strides = array<i32>} : memref<6400x16xf32, #tpu.memory_space<vmem>>, vector<1x16xf32>,
      %get3A_332 = vector.shape_cast %get3A_331 : vector<1x16xf32> to vector<16xf32>
      %add3A_333 = arith.addf %add3A_288, %get3A_332 : vector<16xf32>
      %add3A_334 = arith.constant 35 : i32
      %add3A_335 = arith.addi %mul3A_34, %add3A_334 : i32
      %add3A_336 = arith.constant 0 : i32
      %add3A_337 = arith.addi %add3A_335, %add3A_336 : i32
      %get3A_338 = arith.index_cast %add3A_337 : i32 to index
      %get3A_339 = arith.constant 0 : index
      %get3A_340 = tpu.vector_load %arg7[%get3A_338, %get3A_339] {strides = array<i32>} : memref<6400x16xf32, #tpu.memory_space<vmem>>, vector<1x16xf32>,
      %get3A_341 = vector.shape_cast %get3A_340 : vector<1x16xf32> to vector<16xf32>
      %add3A_342 = arith.addf %add3A_297, %get3A_341 : vector<16xf32>
      %add3A_343 = arith.constant 35 : i32
      %add3A_344 = arith.addi %mul3A_34, %add3A_343 : i32
      %add3A_345 = arith.constant 1 : i32
      %add3A_346 = arith.addi %add3A_344, %add3A_345 : i32
      %get3A_347 = arith.index_cast %add3A_346 : i32 to index
      %get3A_348 = arith.constant 0 : index
      %get3A_349 = tpu.vector_load %arg7[%get3A_347, %get3A_348] {strides = array<i32>} : memref<6400x16xf32, #tpu.memory_space<vmem>>, vector<1x16xf32>,
      %get3A_350 = vector.shape_cast %get3A_349 : vector<1x16xf32> to vector<16xf32>
      %add3A_351 = arith.addf %add3A_306, %get3A_350 : vector<16xf32>
      %add3A_352 = arith.constant 35 : i32
      %add3A_353 = arith.addi %mul3A_34, %add3A_352 : i32
      %add3A_354 = arith.constant 2 : i32
      %add3A_355 = arith.addi %add3A_353, %add3A_354 : i32
      %get3A_356 = arith.index_cast %add3A_355 : i32 to index
      %get3A_357 = arith.constant 0 : index
      %get3A_358 = tpu.vector_load %arg7[%get3A_356, %get3A_357] {strides = array<i32>} : memref<6400x16xf32, #tpu.memory_space<vmem>>, vector<1x16xf32>,
      %get3A_359 = vector.shape_cast %get3A_358 : vector<1x16xf32> to vector<16xf32>
      %add3A_360 = arith.addf %add3A_315, %get3A_359 : vector<16xf32>
      %add3A_361 = arith.constant 35 : i32
      %add3A_362 = arith.addi %mul3A_34, %add3A_361 : i32
      %add3A_363 = arith.constant 3 : i32
      %add3A_364 = arith.addi %add3A_362, %add3A_363 : i32
      %get3A_365 = arith.index_cast %add3A_364 : i32 to index
      %get3A_366 = arith.constant 0 : index
      %get3A_367 = tpu.vector_load %arg7[%get3A_365, %get3A_366] {strides = array<i32>} : memref<6400x16xf32, #tpu.memory_space<vmem>>, vector<1x16xf32>,
      %get3A_368 = vector.shape_cast %get3A_367 : vector<1x16xf32> to vector<16xf32>
      %add3A_369 = arith.addf %add3A_324, %get3A_368 : vector<16xf32>
      %add3A_370 = arith.constant 35 : i32
      %add3A_371 = arith.addi %mul3A_34, %add3A_370 : i32
      %add3A_372 = arith.constant 4 : i32
      %add3A_373 = arith.addi %add3A_371, %add3A_372 : i32
      %get3A_374 = arith.index_cast %add3A_373 : i32 to index
      %get3A_375 = arith.constant 0 : index
      %get3A_376 = tpu.vector_load %arg7[%get3A_374, %get3A_375] {strides = array<i32>} : memref<6400x16xf32, #tpu.memory_space<vmem>>, vector<1x16xf32>,
      %get3A_377 = vector.shape_cast %get3A_376 : vector<1x16xf32> to vector<16xf32>
      %add3A_378 = arith.addf %add3A_333, %get3A_377 : vector<16xf32>
      %add3A_379 = arith.constant 40 : i32
      %add3A_380 = arith.addi %mul3A_34, %add3A_379 : i32
      %add3A_381 = arith.constant 0 : i32
      %add3A_382 = arith.addi %add3A_380, %add3A_381 : i32
      %get3A_383 = arith.index_cast %add3A_382 : i32 to index
      %get3A_384 = arith.constant 0 : index
      %get3A_385 = tpu.vector_load %arg7[%get3A_383, %get3A_384] {strides = array<i32>} : memref<6400x16xf32, #tpu.memory_space<vmem>>, vector<1x16xf32>,
      %get3A_386 = vector.shape_cast %get3A_385 : vector<1x16xf32> to vector<16xf32>
      %add3A_387 = arith.addf %add3A_342, %get3A_386 : vector<16xf32>
      %add3A_388 = arith.constant 40 : i32
      %add3A_389 = arith.addi %mul3A_34, %add3A_388 : i32
      %add3A_390 = arith.constant 1 : i32
      %add3A_391 = arith.addi %add3A_389, %add3A_390 : i32
      %get3A_392 = arith.index_cast %add3A_391 : i32 to index
      %get3A_393 = arith.constant 0 : index
      %get3A_394 = tpu.vector_load %arg7[%get3A_392, %get3A_393] {strides = array<i32>} : memref<6400x16xf32, #tpu.memory_space<vmem>>, vector<1x16xf32>,
      %get3A_395 = vector.shape_cast %get3A_394 : vector<1x16xf32> to vector<16xf32>
      %add3A_396 = arith.addf %add3A_351, %get3A_395 : vector<16xf32>
      %add3A_397 = arith.constant 40 : i32
      %add3A_398 = arith.addi %mul3A_34, %add3A_397 : i32
      %add3A_399 = arith.constant 2 : i32
      %add3A_400 = arith.addi %add3A_398, %add3A_399 : i32
      %get3A_401 = arith.index_cast %add3A_400 : i32 to index
      %get3A_402 = arith.constant 0 : index
      %get3A_403 = tpu.vector_load %arg7[%get3A_401, %get3A_402] {strides = array<i32>} : memref<6400x16xf32, #tpu.memory_space<vmem>>, vector<1x16xf32>,
      %get3A_404 = vector.shape_cast %get3A_403 : vector<1x16xf32> to vector<16xf32>
      %add3A_405 = arith.addf %add3A_360, %get3A_404 : vector<16xf32>
      %add3A_406 = arith.constant 40 : i32
      %add3A_407 = arith.addi %mul3A_34, %add3A_406 : i32
      %add3A_408 = arith.constant 3 : i32
      %add3A_409 = arith.addi %add3A_407, %add3A_408 : i32
      %get3A_410 = arith.index_cast %add3A_409 : i32 to index
      %get3A_411 = arith.constant 0 : index
      %get3A_412 = tpu.vector_load %arg7[%get3A_410, %get3A_411] {strides = array<i32>} : memref<6400x16xf32, #tpu.memory_space<vmem>>, vector<1x16xf32>,
      %get3A_413 = vector.shape_cast %get3A_412 : vector<1x16xf32> to vector<16xf32>
      %add3A_414 = arith.addf %add3A_369, %get3A_413 : vector<16xf32>
      %add3A_415 = arith.constant 40 : i32
      %add3A_416 = arith.addi %mul3A_34, %add3A_415 : i32
      %add3A_417 = arith.constant 4 : i32
      %add3A_418 = arith.addi %add3A_416, %add3A_417 : i32
      %get3A_419 = arith.index_cast %add3A_418 : i32 to index
      %get3A_420 = arith.constant 0 : index
      %get3A_421 = tpu.vector_load %arg7[%get3A_419, %get3A_420] {strides = array<i32>} : memref<6400x16xf32, #tpu.memory_space<vmem>>, vector<1x16xf32>,
      %get3A_422 = vector.shape_cast %get3A_421 : vector<1x16xf32> to vector<16xf32>
      %add3A_423 = arith.addf %add3A_378, %get3A_422 : vector<16xf32>
      %add3A_424 = arith.constant 45 : i32
      %add3A_425 = arith.addi %mul3A_34, %add3A_424 : i32
      %add3A_426 = arith.constant 0 : i32
      %add3A_427 = arith.addi %add3A_425, %add3A_426 : i32
      %get3A_428 = arith.index_cast %add3A_427 : i32 to index
      %get3A_429 = arith.constant 0 : index
      %get3A_430 = tpu.vector_load %arg7[%get3A_428, %get3A_429] {strides = array<i32>} : memref<6400x16xf32, #tpu.memory_space<vmem>>, vector<1x16xf32>,
      %get3A_431 = vector.shape_cast %get3A_430 : vector<1x16xf32> to vector<16xf32>
      %add3A_432 = arith.addf %add3A_387, %get3A_431 : vector<16xf32>
      %add3A_433 = arith.constant 45 : i32
      %add3A_434 = arith.addi %mul3A_34, %add3A_433 : i32
      %add3A_435 = arith.constant 1 : i32
      %add3A_436 = arith.addi %add3A_434, %add3A_435 : i32
      %get3A_437 = arith.index_cast %add3A_436 : i32 to index
      %get3A_438 = arith.constant 0 : index
      %get3A_439 = tpu.vector_load %arg7[%get3A_437, %get3A_438] {strides = array<i32>} : memref<6400x16xf32, #tpu.memory_space<vmem>>, vector<1x16xf32>,
      %get3A_440 = vector.shape_cast %get3A_439 : vector<1x16xf32> to vector<16xf32>
      %add3A_441 = arith.addf %add3A_396, %get3A_440 : vector<16xf32>
      %add3A_442 = arith.constant 45 : i32
      %add3A_443 = arith.addi %mul3A_34, %add3A_442 : i32
      %add3A_444 = arith.constant 2 : i32
      %add3A_445 = arith.addi %add3A_443, %add3A_444 : i32
      %get3A_446 = arith.index_cast %add3A_445 : i32 to index
      %get3A_447 = arith.constant 0 : index
      %get3A_448 = tpu.vector_load %arg7[%get3A_446, %get3A_447] {strides = array<i32>} : memref<6400x16xf32, #tpu.memory_space<vmem>>, vector<1x16xf32>,
      %get3A_449 = vector.shape_cast %get3A_448 : vector<1x16xf32> to vector<16xf32>
      %add3A_450 = arith.addf %add3A_405, %get3A_449 : vector<16xf32>
      %add3A_451 = arith.constant 45 : i32
      %add3A_452 = arith.addi %mul3A_34, %add3A_451 : i32
      %add3A_453 = arith.constant 3 : i32
      %add3A_454 = arith.addi %add3A_452, %add3A_453 : i32
      %get3A_455 = arith.index_cast %add3A_454 : i32 to index
      %get3A_456 = arith.constant 0 : index
      %get3A_457 = tpu.vector_load %arg7[%get3A_455, %get3A_456] {strides = array<i32>} : memref<6400x16xf32, #tpu.memory_space<vmem>>, vector<1x16xf32>,
      %get3A_458 = vector.shape_cast %get3A_457 : vector<1x16xf32> to vector<16xf32>
      %add3A_459 = arith.addf %add3A_414, %get3A_458 : vector<16xf32>
      %add3A_460 = arith.constant 45 : i32
      %add3A_461 = arith.addi %mul3A_34, %add3A_460 : i32
      %add3A_462 = arith.constant 4 : i32
      %add3A_463 = arith.addi %add3A_461, %add3A_462 : i32
      %get3A_464 = arith.index_cast %add3A_463 : i32 to index
      %get3A_465 = arith.constant 0 : index
      %get3A_466 = tpu.vector_load %arg7[%get3A_464, %get3A_465] {strides = array<i32>} : memref<6400x16xf32, #tpu.memory_space<vmem>>, vector<1x16xf32>,
      %get3A_467 = vector.shape_cast %get3A_466 : vector<1x16xf32> to vector<16xf32>
      %add3A_468 = arith.addf %add3A_423, %get3A_467 : vector<16xf32>
      %add3A_469 = arith.addf %add3A_432, %add3A_441 : vector<16xf32>
      %add3A_470 = arith.addf %add3A_450, %add3A_459 : vector<16xf32>
      %add3A_471 = arith.addf %add3A_469, %add3A_470 : vector<16xf32>
      %get3A_472 = arith.constant 0 : index
      %get3A_473 = tpu.vector_load %arg9[%get3A_472] {strides = array<i32>} : memref<16xf32, #tpu.memory_space<vmem>>, vector<16xf32>,
      %get3A_474 = vector.shape_cast %get3A_473 : vector<16xf32> to vector<16xf32>
      %add3A_475 = arith.addf %add3A_468, %get3A_474 : vector<16xf32>
      %add3A_476 = arith.addf %add3A_471, %add3A_475 : vector<16xf32>
      %swap3A = arith.index_cast %scan3A_32 : i32 to index
      %swap3A_477 = arith.constant 0 : index
      %swap3A_478 = tpu.vector_load %arg8[%swap3A, %swap3A_477] {strides = array<i32>} : memref<128x16xf32, #tpu.memory_space<vmem>>, vector<1x16xf32>,
      %swap3A_479 = vector.shape_cast %swap3A_478 : vector<1x16xf32> to vector<16xf32>
      %swap3A_480 = vector.shape_cast %add3A_476 : vector<16xf32> to vector<1x16xf32>
      tpu.vector_store %arg8[%swap3A, %swap3A_477], %swap3A_480 {strides = array<i32>} : memref<128x16xf32, #tpu.memory_space<vmem>>, vector<1x16xf32>,
    }
    %scan3A_29 = arith.constant 64 : i32
    %mul3A_30 = arith.constant 128 : i32
    %mul3A_31 = arith.muli %add3A, %mul3A_30 : i32
    "tpu.region"() ({
      %run_scoped3A = tpu.sem_alloc : memref<!tpu.dma_semaphore, #tpu.memory_space<semaphore_mem>>
      %dma_start3A = arith.constant 0 : i32
      %dma_start3A_32 = tpu.memref_slice %arg5[%mul3A_31, %dma_start3A] : memref<4096x16xf32, #tpu.memory_space<hbm>> -> memref<128x16xf32, #tpu.memory_space<hbm>>
      %dma_start3A_33 = arith.constant 0 : i32
      %dma_start3A_34 = tpu.memref_slice %arg5[%mul3A_31, %dma_start3A_33] : memref<4096x16xf32, #tpu.memory_space<hbm>> -> memref<128x16xf32, #tpu.memory_space<hbm>>
      tpu.enqueue_dma source(%arg8 : memref<128x16xf32, #tpu.memory_space<vmem>>) target(%dma_start3A_34 : memref<128x16xf32, #tpu.memory_space<hbm>>) target_semaphore(%run_scoped3A : memref<!tpu.dma_semaphore, #tpu.memory_space<semaphore_mem>>)
      %dma_wait3A = arith.constant 0 : i32
      %dma_wait3A_35 = tpu.memref_slice %arg5[%mul3A_31, %dma_wait3A] : memref<4096x16xf32, #tpu.memory_space<hbm>> -> memref<128x16xf32, #tpu.memory_space<hbm>>
      %dma_wait3A_36 = arith.constant 0 : i32
      %dma_wait3A_37 = tpu.memref_slice %arg5[%mul3A_31, %dma_wait3A_36] : memref<4096x16xf32, #tpu.memory_space<hbm>> -> memref<128x16xf32, #tpu.memory_space<hbm>>
      tpu.wait_dma2 semaphore(%run_scoped3A : memref<!tpu.dma_semaphore, #tpu.memory_space<semaphore_mem>>) src(%arg8 : memref<128x16xf32, #tpu.memory_space<vmem>>) dst(%dma_wait3A_37 : memref<128x16xf32, #tpu.memory_space<hbm>>)
      tpu.yield
    }) : () -> ()
    return
  }
}

module attributes {stable_mosaic.version = 14 : i64} {
  func.func @_proj_body(%arg0: i32, %arg1: memref<10000x128xf32, #tpu.memory_space<vmem>>, %arg2: memref<128x16xf32, #tpu.memory_space<vmem>>, %arg3: memref<1x1280x128xf32, #tpu.memory_space<vmem>>) attributes {dimension_semantics = [#tpu.dimension_semantics<arbitrary>], iteration_bounds = array<i64: 10>, scalar_prefetch = 0 : i64, scratch_operands = 0 : i64, tpu.core_type = #tpu.core_type<tc>, window_params = [{transform_indices = @transform_0, window_bounds = array<i64: 10000, 128>}, {pipeline_mode = #tpu.pipeline_mode<synchronous>, transform_indices = @transform_1, window_bounds = array<i64: 128, 16>}, {transform_indices = @transform_2, window_bounds = array<i64: 1, 1280, 128>}]} {
    %get3A = arith.constant 0 : index
    %get3A_0 = arith.constant 0 : index
    %get3A_1 = vector.load %arg2[%get3A, %get3A_0] : memref<128x16xf32, #tpu.memory_space<vmem>>, vector<128x16xf32>
    %mul3A = arith.constant 2.000000e-02 : f32
    %mul3A_2 = vector.broadcast %mul3A : f32 to vector<128x16xf32>
    %mul3A_3 = arith.mulf %get3A_1, %mul3A_2 : vector<128x16xf32>
    %get3A_4 = arith.constant 0 : index
    %get3A_5 = arith.constant 0 : index
    %get3A_6 = vector.load %arg1[%get3A_4, %get3A_5] : memref<10000x128xf32, #tpu.memory_space<vmem>>, vector<10000x128xf32>
    %reshape3A = vector.shape_cast %get3A_6 : vector<10000x128xf32> to vector<1250x8x128xf32>
    %slice3A = vector.extract_strided_slice %reshape3A {offsets = [0, 0, 0], sizes = [1250, 1, 128], strides = [1, 1, 1]} : vector<1250x8x128xf32> to vector<1250x1x128xf32>
    %squeeze3A = vector.shape_cast %slice3A : vector<1250x1x128xf32> to vector<1250x128xf32>
    %dot_general3A = arith.constant dense<0.000000e+00> : vector<1250x16xf32>
    %dot_general3A_7 = tpu.matmul %squeeze3A, %mul3A_3, %dot_general3A {dimension_numbers = #tpu.dot_dimension_numbers<[1], [0], [0], [1], [0, 0, 1, 1], [], []>, transpose_lhs_hint = false} : vector<1250x128xf32>, vector<128x16xf32>, vector<1250x16xf32> -> vector<1250x16xf32>
    %slice3A_8 = vector.extract_strided_slice %reshape3A {offsets = [0, 1, 0], sizes = [1250, 1, 128], strides = [1, 1, 1]} : vector<1250x8x128xf32> to vector<1250x1x128xf32>
    %squeeze3A_9 = vector.shape_cast %slice3A_8 : vector<1250x1x128xf32> to vector<1250x128xf32>
    %dot_general3A_10 = arith.constant dense<0.000000e+00> : vector<1250x16xf32>
    %dot_general3A_11 = tpu.matmul %squeeze3A_9, %mul3A_3, %dot_general3A_10 {dimension_numbers = #tpu.dot_dimension_numbers<[1], [0], [0], [1], [0, 0, 1, 1], [], []>, transpose_lhs_hint = false} : vector<1250x128xf32>, vector<128x16xf32>, vector<1250x16xf32> -> vector<1250x16xf32>
    %slice3A_12 = vector.extract_strided_slice %reshape3A {offsets = [0, 2, 0], sizes = [1250, 1, 128], strides = [1, 1, 1]} : vector<1250x8x128xf32> to vector<1250x1x128xf32>
    %squeeze3A_13 = vector.shape_cast %slice3A_12 : vector<1250x1x128xf32> to vector<1250x128xf32>
    %dot_general3A_14 = arith.constant dense<0.000000e+00> : vector<1250x16xf32>
    %dot_general3A_15 = tpu.matmul %squeeze3A_13, %mul3A_3, %dot_general3A_14 {dimension_numbers = #tpu.dot_dimension_numbers<[1], [0], [0], [1], [0, 0, 1, 1], [], []>, transpose_lhs_hint = false} : vector<1250x128xf32>, vector<128x16xf32>, vector<1250x16xf32> -> vector<1250x16xf32>
    %slice3A_16 = vector.extract_strided_slice %reshape3A {offsets = [0, 3, 0], sizes = [1250, 1, 128], strides = [1, 1, 1]} : vector<1250x8x128xf32> to vector<1250x1x128xf32>
    %squeeze3A_17 = vector.shape_cast %slice3A_16 : vector<1250x1x128xf32> to vector<1250x128xf32>
    %dot_general3A_18 = arith.constant dense<0.000000e+00> : vector<1250x16xf32>
    %dot_general3A_19 = tpu.matmul %squeeze3A_17, %mul3A_3, %dot_general3A_18 {dimension_numbers = #tpu.dot_dimension_numbers<[1], [0], [0], [1], [0, 0, 1, 1], [], []>, transpose_lhs_hint = false} : vector<1250x128xf32>, vector<128x16xf32>, vector<1250x16xf32> -> vector<1250x16xf32>
    %slice3A_20 = vector.extract_strided_slice %reshape3A {offsets = [0, 4, 0], sizes = [1250, 1, 128], strides = [1, 1, 1]} : vector<1250x8x128xf32> to vector<1250x1x128xf32>
    %squeeze3A_21 = vector.shape_cast %slice3A_20 : vector<1250x1x128xf32> to vector<1250x128xf32>
    %dot_general3A_22 = arith.constant dense<0.000000e+00> : vector<1250x16xf32>
    %dot_general3A_23 = tpu.matmul %squeeze3A_21, %mul3A_3, %dot_general3A_22 {dimension_numbers = #tpu.dot_dimension_numbers<[1], [0], [0], [1], [0, 0, 1, 1], [], []>, transpose_lhs_hint = false} : vector<1250x128xf32>, vector<128x16xf32>, vector<1250x16xf32> -> vector<1250x16xf32>
    %slice3A_24 = vector.extract_strided_slice %reshape3A {offsets = [0, 5, 0], sizes = [1250, 1, 128], strides = [1, 1, 1]} : vector<1250x8x128xf32> to vector<1250x1x128xf32>
    %squeeze3A_25 = vector.shape_cast %slice3A_24 : vector<1250x1x128xf32> to vector<1250x128xf32>
    %dot_general3A_26 = arith.constant dense<0.000000e+00> : vector<1250x16xf32>
    %dot_general3A_27 = tpu.matmul %squeeze3A_25, %mul3A_3, %dot_general3A_26 {dimension_numbers = #tpu.dot_dimension_numbers<[1], [0], [0], [1], [0, 0, 1, 1], [], []>, transpose_lhs_hint = false} : vector<1250x128xf32>, vector<128x16xf32>, vector<1250x16xf32> -> vector<1250x16xf32>
    %slice3A_28 = vector.extract_strided_slice %reshape3A {offsets = [0, 6, 0], sizes = [1250, 1, 128], strides = [1, 1, 1]} : vector<1250x8x128xf32> to vector<1250x1x128xf32>
    %squeeze3A_29 = vector.shape_cast %slice3A_28 : vector<1250x1x128xf32> to vector<1250x128xf32>
    %dot_general3A_30 = arith.constant dense<0.000000e+00> : vector<1250x16xf32>
    %dot_general3A_31 = tpu.matmul %squeeze3A_29, %mul3A_3, %dot_general3A_30 {dimension_numbers = #tpu.dot_dimension_numbers<[1], [0], [0], [1], [0, 0, 1, 1], [], []>, transpose_lhs_hint = false} : vector<1250x128xf32>, vector<128x16xf32>, vector<1250x16xf32> -> vector<1250x16xf32>
    %slice3A_32 = vector.extract_strided_slice %reshape3A {offsets = [0, 7, 0], sizes = [1250, 1, 128], strides = [1, 1, 1]} : vector<1250x8x128xf32> to vector<1250x1x128xf32>
    %squeeze3A_33 = vector.shape_cast %slice3A_32 : vector<1250x1x128xf32> to vector<1250x128xf32>
    %dot_general3A_34 = arith.constant dense<0.000000e+00> : vector<1250x16xf32>
    %dot_general3A_35 = tpu.matmul %squeeze3A_33, %mul3A_3, %dot_general3A_34 {dimension_numbers = #tpu.dot_dimension_numbers<[1], [0], [0], [1], [0, 0, 1, 1], [], []>, transpose_lhs_hint = false} : vector<1250x128xf32>, vector<128x16xf32>, vector<1250x16xf32> -> vector<1250x16xf32>
    %concatenate3A = tpu.concatenate %dot_general3A_7, %dot_general3A_11, %dot_general3A_15, %dot_general3A_19, %dot_general3A_23, %dot_general3A_27, %dot_general3A_31, %dot_general3A_35 in 1 : vector<1250x16xf32>, vector<1250x16xf32>, vector<1250x16xf32>, vector<1250x16xf32>, vector<1250x16xf32>, vector<1250x16xf32>, vector<1250x16xf32>, vector<1250x16xf32> -> vector<1250x128xf32>
    %swap3A = arith.constant 0 : index
    %swap3A_36 = arith.constant 0 : index
    %swap3A_37 = arith.constant 0 : index
    %swap3A_38 = vector.load %arg3[%swap3A, %swap3A_36, %swap3A_37] : memref<1x1280x128xf32, #tpu.memory_space<vmem>>, vector<1x1250x128xf32>
    %swap3A_39 = vector.shape_cast %swap3A_38 : vector<1x1250x128xf32> to vector<1250x128xf32>
    %swap3A_40 = vector.shape_cast %concatenate3A : vector<1250x128xf32> to vector<1x1250x128xf32>
    tpu.vector_store %arg3[%swap3A, %swap3A_36, %swap3A_37], %swap3A_40 {strides = array<i32>} : memref<1x1280x128xf32, #tpu.memory_space<vmem>>, vector<1x1250x128xf32>,
    return
  }
  func.func @transform_0(%arg0: i32) -> (i32, i32) {
    %c0_i32 = arith.constant 0 : i32
    %c0_i32_0 = arith.constant 0 : i32
    return %arg0, %c0_i32 : i32, i32
  }
  func.func @transform_1(%arg0: i32) -> (i32, i32) {
    %c0_i32 = arith.constant 0 : i32
    %c0_i32_0 = arith.constant 0 : i32
    %c0_i32_1 = arith.constant 0 : i32
    return %c0_i32, %c0_i32_0 : i32, i32
  }
  func.func @transform_2(%arg0: i32) -> (i32, i32, i32) {
    %c0_i32 = arith.constant 0 : i32
    %c0_i32_0 = arith.constant 0 : i32
    %c0_i32_1 = arith.constant 0 : i32
    return %arg0, %c0_i32, %c0_i32_0 : i32, i32, i32
  }
}

</mosaic_0001>

<sc_bundles>
// kernel: kernel.4.cloned.1.call-start
scs
__scs_entry_jumppad:
0x0: {  	(pc) =	sbr.rel $0x88, $3  }
0x1: {  	(tag) =	ssettag $0x0;
	lr =	simm.s32 $0x1  }
0x2: {  	[smem:$0x3F9D] =	sst lr;
	_ =	strace $0xD0000000  }
0x3: {  	_ = 	snop  }
0x4: {  	_ = 	snop  }
0x5: {  	_ = 	snop  }
0x6: {  	_ = 	snop  }
0x7: {  	_ = 	snop  }
__scs_overlays_trampoline_lowered:
0x8: {  	[smem:$0x3FAC] =	sst s0  }
0x9: {  	[smem:$0x3FAD] =	sst s1  }
0xa: {  	[smem:$0x3FAE] =	sst s2  }
0xb: {  	[smem:$0x3FAF] =	sst s3  }
0xc: {  	[smem:$0x3FB0] =	sst s4  }
0xd: {  	[smem:$0x3FB1] =	sst s5  }
0xe: {  	[smem:$0x3FB2] =	sst s6  }
0xf: {  	[smem:$0x3FB3] =	sst s7  }
0x10: {  	[smem:$0x3FB4] =	sst s8  }
0x11: {  	[smem:$0x3FB5] =	sst s9;
	s0 =	simm.s32 @!p0 $0x0  }
0x12: {  	s1 =	sld [smem:$0x3F9B];
	s0 =	simm.s32 @p0 $0x1  }
0x13: {  	[smem:$0x3FB6] =	sst s0;
	s0 =	simm.s32 @!p1 $0x0  }
0x14: {  	s2 =	sld [smem:$0x3F9A];
	s0 =	simm.s32 @p1 $0x1  }
0x15: {  	[smem:$0x3FB7] =	sst s0;
	s0 =	simm.s32 @!p2 $0x0  }
0x16: {  	s3 =	sld [smem:$0x3FDB];
	s0 =	simm.s32 @p2 $0x1  }
0x17: {  	s4 =	simm.s32 $0x1BF5;
	[smem:$0x3FB9] =	sst s0  }
0x18: {  	s0 =	sld [smem:$0x3F9C];
	_ =	swait.ge [sflag:s4], $0x0  }
0x19: {  	s7 =	sld [smem:$0x3F9D]  }
0x1a: {  	s8 =	sadd.s32 $0xFFFFE003, lr  }
0x1b: {  	s9 =	sadd.s32 $0xFFFFFEF7, lr;
	s5 =	simm.s32 $0xFFFFFFFF;
	p2 =	slt.u32 s8, $0xFFFFF086  }
0x1c: {  	p1 =	slt.u32 s9, $0xF7A;
	s5 =	simm.s32 @!p2 $0x0  }
0x1d: {  	s5 =	simm.s32 @p1 $0x1;
	p0 =	seq.s32 s7, s2  }
0x1e: {  	s7 =	smul.u32 @!p0 $0xF7A, s2;
	p2 =	seq.s32 @!p0 s5, $0x0  }
0x1f: {  	s9 =	smul.u32 $0xF7A, s1;
	s8 =	simm.s32 @!p0 $0x1BF5;
	p2 =	por !p2, p0  }
0x20: {  	[sflag:s8] =	ssyncset.s32 @!p0 $0xFFFFF086;
	s6 =	sadd.s32 @!p0 s3, s7;
	s7 =	simm.s32 @!p0 $0x108  }
0x21: {  	s3 =	sadd.s32 s3, s9;
	s6 =	sadd.s32 @!p0 $0x88, s6;
	s7 =	simm.s32 @p2 $0x1082  }
0x22: {  	[simem:s7], [sflag:s8] =	dma.local @!p0 [hbm:s6], $0xF7A  }
0x23: {  	s9 =	sor.u32 $0xD0000000, s2;
	s6 =	simm.s32 $0x108;
	_ =	swait.ge @!p0 [sflag:s8], $0x0  }
0x24: {  	s3 =	sadd.s32 $0x88, s3;
	s6 =	simm.s32 @!p1 $0x1082;
	[sflag:s4] =	ssyncset.s32 $0xFFFFF086  }
0x25: {  	[simem:s6], [sflag:s4] =	dma.local [hbm:s3], $0xF7A  }
0x26: {  	[smem:$0x3F9D] =	sst s1;
	(tag) =	ssettag s2;
	_ =	strace s9  }
0x27: {  	s1 =	sld [smem:$0x3FAD]  }
0x28: {  	s2 =	sld [smem:$0x3FAE]  }
0x29: {  	s4 =	sld [smem:$0x3FB0]  }
0x2a: {  	p0 =	seq.s32 s5, $0x0;
	s5 =	sld [smem:$0x3FB1]  }
0x2b: {  	s6 =	sld [smem:$0x3FB2]  }
0x2c: {  	s7 =	sld [smem:$0x3FB3]  }
0x2d: {  	s3 =	simm.s32 $0x108;
	s8 =	sld [smem:$0x3FB4]  }
0x2e: {  	s3 =	simm.s32 @!p0 $0x1082;
	s9 =	sld [smem:$0x3FB5]  }
0x2f: {  	lr =	sadd.s32 s0, s3;
	s0 =	sld [smem:$0x3FAC]  }
0x30: {  	s3 =	sld [smem:$0x3FAF]  }
0x31: {  	[smem:$0x3FB8] =	sst s10  }
0x32: {  	s10 =	sld [smem:$0x3FB6];
	_ =	sdelay $0x3  }
0x33: {  	p0 =	seq.s32 s10, $0x1;
	s10 =	sld [smem:$0x3FB8];
	_ =	sdelay $0x3  }
0x34: {  	[smem:$0x3FB8] =	sst s10  }
0x35: {  	s10 =	sld [smem:$0x3FB7];
	_ =	sdelay $0x3  }
0x36: {  	p1 =	seq.s32 s10, $0x1;
	s10 =	sld [smem:$0x3FB8];
	_ =	sdelay $0x3  }
0x37: {  	[smem:$0x3FB8] =	sst s10  }
0x38: {  	s10 =	sld [smem:$0x3FB9]  }
0x39: {  	_ = 	snop;
	(pc) =	sbr.ind lr, $3  }
0x3a: {  	_ = 	snop  }
0x3b: {  	_ = 	snop  }
0x3c: {  	p2 =	seq.s32 s10, $0x1;
	s10 =	sld [smem:$0x3FB8]  }
0x3d: {  	_ =	shalt  }
0x3e: {  	_ =	shalt  }
0x3f: {  	_ =	shalt  }
0x40: {  	_ =	shalt  }
0x41: {  	_ =	shalt  }
0x42: {  	_ =	shalt  }
0x43: {  	_ =	shalt  }
0x44: {  	_ =	shalt  }
0x45: {  	_ =	shalt  }
0x46: {  	_ =	shalt  }
0x47: {  	_ =	shalt  }
0x48: {  	_ =	shalt  }
0x49: {  	_ =	shalt  }
0x4a: {  	_ =	shalt  }
0x4b: {  	_ =	shalt  }
0x4c: {  	_ =	shalt  }
0x4d: {  	_ =	shalt  }
0x4e: {  	_ =	shalt  }
0x4f: {  	_ =	shalt  }
0x50: {  	_ =	shalt  }
0x51: {  	_ =	shalt  }
0x52: {  	_ =	shalt  }
0x53: {  	_ =	shalt  }
0x54: {  	_ =	shalt  }
0x55: {  	_ =	shalt  }
0x56: {  	_ =	shalt  }
0x57: {  	_ =	shalt  }
0x58: {  	_ =	shalt  }
0x59: {  	_ =	shalt  }
0x5a: {  	_ =	shalt  }
0x5b: {  	_ =	shalt  }
0x5c: {  	_ =	shalt  }
0x5d: {  	_ =	shalt  }
0x5e: {  	_ =	shalt  }
0x5f: {  	_ =	shalt  }
0x60: {  	_ =	shalt  }
0x61: {  	_ =	shalt  }
0x62: {  	_ =	shalt  }
0x63: {  	_ =	shalt  }
0x64: {  	_ =	shalt  }
0x65: {  	_ =	shalt  }
0x66: {  	_ =	shalt  }
0x67: {  	_ =	shalt  }
0x68: {  	_ =	shalt  }
0x69: {  	_ =	shalt  }
0x6a: {  	_ =	shalt  }
0x6b: {  	_ =	shalt  }
0x6c: {  	_ =	shalt  }
0x6d: {  	_ =	shalt  }
0x6e: {  	_ =	shalt  }
0x6f: {  	_ =	shalt  }
0x70: {  	_ =	shalt  }
0x71: {  	_ =	shalt  }
0x72: {  	_ =	shalt  }
0x73: {  	_ =	shalt  }
0x74: {  	_ =	shalt  }
0x75: {  	_ =	shalt  }
0x76: {  	_ =	shalt  }
0x77: {  	_ =	shalt  }
0x78: {  	_ =	shalt  }
0x79: {  	_ =	shalt  }
0x7a: {  	_ =	shalt  }
0x7b: {  	_ =	shalt  }
0x7c: {  	_ =	shalt  }
0x7d: {  	_ =	shalt  }
0x7e: {  	_ =	shalt  }
0x7f: {  	_ =	shalt  }
0x80: {  	_ =	shalt  }
0x81: {  	_ =	shalt  }
0x82: {  	_ =	shalt  }
0x83: {  	_ =	shalt  }
0x84: {  	_ =	shalt  }
0x85: {  	_ =	shalt  }
0x86: {  	_ =	shalt  }
0x87: {  	_ =	shalt  }
.Lfunc_end0:
.L_simem_size_0:
called_computation_lowered:
.L_overlay_start_0:
0x88: {  	s2 =	sld [smem:$0x3FD9]  }
0x89: {  	s3 =	sld [smem:$0x3FFE];
	_ =	sdelay $0x1  }
0x8a: {  	s1 =	srdreg.scid  }
0x8b: {  	s0 =	sand.u32 $0x1, s1  }
0x8c: {  	s17 =	sshll.u32 s0, $0xA;
	s2 =	sadd.s32 s3, s2  }
0x8d: {  	s2 =	sadd.s32 s2, s17  }
0x8e: {  	[smem:$0x3FC4] =	sst s2  }
0x8f: {  	_ = 	snop  }
0x90: {  	s2 =	sld [smem:$0x3FC6]  }
0x91: {  	s18 =	sld [smem:$0x3FD0];
	(tm) =	ssettm $0x1  }
0x92: {  	s4 =	sld [smem:$0x3FFB];
	_ =	sdelay $0x3  }
0x93: {  	_ =	strace s4  }
0x94: {  	s4 =	sld [smem:$0x3FFC];
	_ =	sdelay $0x3  }
0x95: {  	_ =	strace s4  }
0x96: {  	s4 =	sld [smem:$0x3FFD];
	_ =	sdelay $0x3  }
0x97: {  	_ =	strace s4  }
0x98: {  	_ =	strace $0x8FFFFFFF  }
0x99: {  	s19 =	sld [smem:$0x3FDB];
	_ =	sdelay $0x1  }
0x9a: {  	s5 =	simm.s32 $_scs_section_size  }
0x9b: {  	s6 =	simm.s32 $_size__tile_overlayer_lowered;
	s7 =	simm.s32 $_tile_overlayer_lowered  }
0x9c: {  	s22 =	simm.s32 $0x1BFF;
	s21 =	sshll.u32 s7, $0x1;
	s4 =	sadd.s32 s5, s19  }
0x9d: {  	s8 =	simm.s32 $0x0;
	s20 =	sshll.u32 s6, $0x1;
	s6 =	sadd.s32 s21, s4  }
0x9e: {  	[timem:s8], [sflag:s22] =	dma.local [hbm:s6], s20  }
0x9f: {  	_ =	swait.ge [sflag:s22], s20  }
0xa0: {  	s5 =	ssub.s32 $0x0, s20;
	[sflag:s22] =	ssyncset.done $0x0  }
0xa1: {  	[sflag:s22] =	ssyncadd.s32 s5;
	_ =	sdelay $0x1  }
0xa2: {  	s23 =	simm.s32 $0x1B8B  }
0xa3: {  	_ =	swait.ge [sflag:s23], $0x1  }
0xa4: {  	[sflag:s23] =	ssyncset.done $0x0  }
0xa5: {  	s25 =	simm.s32 $0x1B8E;
	s24 =	sld [smem:$0x3FFE];
	[sflag:s23] =	ssyncadd.s32 $0xFFFFFFFF  }
0xa6: {  	s26 =	simm.s32 $execute0_lowered;
	[smem:$0x3FD2] =	sst s25  }
0xa7: {  	s6 =	sshll.u32 s26, $0x1;
	_ =	strace $0x80000046;
	[dreg:$0x1] =	wrdreg $0xFFFFFFFF  }
0xa8: {  	s28 =	simm.s32 $_size_execute0_lowered;
	s4 =	sadd.s32 s4, s6;
	[dreg:$0x0] =	wrdreg $0x0  }
0xa9: {  	s6 =	sshll.u32 s28, $0x1;
	[dreg:$0x2] =	wrdreg s4  }
0xaa: {  	[dreg:$0x3] =	wrdreg s6  }
0xab: {  	[dreg:$0x4] =	wrdreg $0xC0  }
0xac: {  	_ =	task [dreg:s8], $0x5FFFF  }
0xad: {  	[dreg:$0x1] =	wrdreg $0xFFFFFFFF  }
0xae: {  	[dreg:$0x0] =	wrdreg $0x60  }
0xaf: {  	[dreg:$0x2] =	wrdreg s24  }
0xb0: {  	[dreg:$0x3] =	wrdreg s2  }
0xb1: {  	[dreg:$0x4] =	wrdreg s18  }
0xb2: {  	[dreg:$0x5] =	wrdreg $0x9  }
0xb3: {  	_ =	task.clear_ibuf [dreg:s8], $0x6FFFF;
	_ =	strace $0x90000046  }
0xb4: {  	s29 =	simm.s32 $0x9;
	_ =	strace $0x80000048  }
0xb5: {  	_ =	swait.ge [sflag:s29], $0x1  }
0xb6: {  	[sflag:s29] =	ssyncadd.s32 $0xFFFFFFFF  }
0xb7: {  	_ =	strace $0x90000048  }
0xb8: {  	_ =	sfence  }
0xb9: {  	s30 =	sld [smem:$0x0];
	_ =	sdelay $0x2  }
0xba: {  	s31 =	sshll.u32 s1, $0xD;
	s1 =	sshrl.u32 s1, $0x2  }
0xbb: {  	s3 =	sand.u32 $0x4000, s31;
	s1 =	sadd.s32 s1, s30  }
0xbc: {  	s0 =	sor.u32 s3, s0;
	s1 =	sshll.u32 s1, $0x11  }
0xbd: {  	s0 =	sor.u32 s1, s0  }
0xbe: {  	s0 =	sadd.s32 $0x8F2B, s0  }
0xbf: {  	[sflag:s0] =	ssyncadd.remote.s32 $0x1  }
0xc0: {  	_ =	sfence.sel $0xFFFF  }
0xc1: {  	[dreg:$0x0] =	wrdreg $0xFFFFFFFF;
	(pc) =	sbr.abs _section_cstart, $3  }
0xc2: {  	[dreg:$0x1] =	wrdreg $0xFFFFFFFF  }
0xc3: {  	_ =	task.clear_ibuf [dreg:s8], $0x2FFFF;
	_ =	strace $0x9FFFFFFF  }
0xc4: {  	(tm) =	ssettm $0x7FFFFFFF  }
0xc5: {  	_ =	shalt  }
tec
execute0_lowered:
.L_overlay_start_1:
0x0: {  	(tag) =	ssettag $0x1  }
0x1: {  	s5 =	rddreg [dreg:$0x0]  }
0x2: {  	s2 =	rddreg [dreg:$0x1]  }
0x3: {  	s1 =	srdreg.scid;
	s0 =	stileid.u32  }
0x4: {  	s6 =	rddreg [dreg:$0x2];
	s3 =	simm.s32 $0x0;
	s11 =	simm.s32 $0x1  }
0x5: {  	s12 =	simm.s32 $0x1A900;
	s4 =	sand.u32 $0x1, s1;
	s1 =	rddreg [dreg:$0x3]  }
0x6: {  	s13 =	simm.s32 $0x0;
	s7 =	sshll.u32 s0, $0x1;
	[smem:$0x7FF] =	sst s3  }
0x7: {  	s7 =	sor.u32 s4, s7;
	s9 =	ssub.s32 $0x2, s4;
	_ =	strace $0x80000047  }
0x8: {  	s8 =	smul.u32 $0x320, s7;
	s10 =	sshrl.u32 s9, $0x1;
	s7 =	sshll.u32 s7, $0x8  }
0x9: {  	s4 =	sadd.s32 $0x6A00, s5;
	s31 =	ssub.s32 s9, s10;
	s6 =	sadd.s32 s6, s7  }
0xa: {  	s9 =	simm.s32 $0x2;
	s10 =	simm.s32 $0x80;
	s5 =	sadd.s32 s8, s5  }
0xb: {  	s7 =	smax.u32 s31, $0x1;
	s8 =	simm.s32 $0x1B100;
	s5 =	sadd.s32 $0x600, s5  }
.LBB2_1:
0xc: {  	[tilespmem:s8], [sflag:$0x2] =	stream.linear.gather [hbm4b:s2+s3], $0x10, $0x38;
	[tilespmem:$0x1B110] =	vst v63  }
0xd: {  	_ =	swait.ge [sflag:s9], $0x10  }
0xe: {  	[sflag:s9] =	ssyncset.done $0x0  }
0xf: {  	[sflag:s9] =	ssyncadd.s32 $0xFFFFFFF0  }
0x10: {  	[tilespmem:s3], [sflag:$0x2] =	stream.linear.gather [hbm4b:s5+s3], $0x1900, $0x38;
	[tilespmem:$0x1B110] =	vst v63  }
0x11: {  	_ =	swait.ge [sflag:s9], $0x1900  }
0x12: {  	[sflag:s9] =	ssyncset.done $0x0  }
0x13: {  	[sflag:s9] =	ssyncadd.s32 $0xFFFFE700  }
0x14: {  	v5 =	vld [tilespmem:s3+$0x30]  }
0x15: {  	v6 =	vld [tilespmem:s3+$0x40]  }
0x16: {  	v2 =	vld [tilespmem:s3+$0x0]  }
0x17: {  	v0 =	vld [tilespmem:s3+$0x70]  }
0x18: {  	v3 =	vld [tilespmem:s3+$0x60]  }
0x19: {  	v7 =	vld [tilespmem:s3+$0x50]  }
0x1a: {  	v1 =	vld [tilespmem:s3+$0x10]  }
0x1b: {  	v4 =	vcvt.s32.f32 v5  }
0x1c: {  	v8 =	vcvt.s32.f32 v6;
	v9 =	vcvt.s32.f32 v2  }
0x1d: {  	v10 =	vcvt.s32.f32 v0;
	v11 =	vcvt.s32.f32 v3;
	v4 =	vadd.f32 $5.000000000e-01, v4  }
0x1e: {  	v12 =	vcvt.s32.f32 v7;
	v8 =	vadd.f32 $5.000000000e-01, v8;
	v9 =	vadd.f32 $5.000000000e-01, v9  }
0x1f: {  	v13 =	vcvt.s32.f32 v1;
	v10 =	vadd.f32 $5.000000000e-01, v10;
	v11 =	vadd.f32 $5.000000000e-01, v11  }
0x20: {  	v12 =	vadd.f32 $5.000000000e-01, v12;
	v4 =	vmul.f32 $9.999999740e-05, v4;
	v8 =	vmul.f32 $9.999999740e-05, v8  }
0x21: {  	v13 =	vadd.f32 $5.000000000e-01, v13;
	v9 =	vmul.f32 $9.999999740e-05, v9;
	v10 =	vmul.f32 $9.999999740e-05, v10  }
0x22: {  	v11 =	vmul.f32 $9.999999740e-05, v11;
	v12 =	vmul.f32 $9.999999740e-05, v12  }
0x23: {  	v13 =	vmul.f32 $9.999999740e-05, v13;
	v14 =	vtrunc.f32 v4  }
0x24: {  	v4 =	vld [tilespmem:s3+$0x20];
	v8 =	vtrunc.f32 v8;
	v12 =	vtrunc.f32 v12  }
0x25: {  	v11 =	vtrunc.f32 v11;
	v9 =	vtrunc.f32 v9  }
0x26: {  	v13 =	vtrunc.f32 v13;
	v14 =	vcvt.f32.s32 v14  }
0x27: {  	v10 =	vtrunc.f32 v10;
	v8 =	vcvt.f32.s32 v8  }
0x28: {  	v12 =	vcvt.f32.s32 v12;
	v13 =	vcvt.f32.s32 v13;
	v14 =	vmul.u32 $0xF0, v14  }
0x29: {  	v11 =	vcvt.f32.s32 v11;
	v8 =	vmul.u32 $0xF0, v8;
	v15 =	vcvt.s32.f32 v4  }
0x2a: {  	v10 =	vcvt.f32.s32 v10;
	v12 =	vmul.u32 $0xF0, v12;
	v5 =	vadd.s32 v5, v14  }
0x2b: {  	[tilespmem:s3+$0x30] =	vst v5;
	v5 =	vadd.s32 v6, v8;
	v6 =	vcvt.f32.s32 v9;
	v63 =	vadd.f32 $5.000000000e-01, v15  }
0x2c: {  	s16 =	simm.s32 $0x2000;
	v7 =	vadd.s32 v7, v12;
	v9 =	vmul.u32 $0xF0, v11;
	[tilespmem:s3+$0x40] =	vst v5;
	v5 =	vmul.u32 $0xF0, v13  }
0x2d: {  	s17 =	simm.s32 $0x0;
	s14 =	simm.s32 $0x0;
	s15 =	simm.s32 $0x0;
	[tilespmem:s3+$0x50] =	vst v7;
	v7 =	vmul.u32 $0xF0, v6;
	v6 =	vmul.u32 $0xF0, v10;
	v8 =	vmul.f32 $9.999999740e-05, v63  }
.LBB2_2:
0x2e: {  	p0 =	sne.s32 s16, $0x62000  }
0x2f: {  	v8 =	vtrunc.f32 v8;
	v3 =	vadd.s32 v3, v9;
	s17 =	sadd.s32 $0x80, s17;
	s18 =	smov.u32 s16;
	s16 =	sadd.s32 $0x2000, s16  }
0x30: {  	v2 =	vadd.s32 v2, v7;
	v7 =	vcvt.f32.s32 v8;
	[tilespmem:s14+$0x60] =	vst v3;
	v0 =	vadd.s32 v0, v6  }
0x31: {  	[tilespmem:s14+$0x0] =	vst v2  }
0x32: {  	v2 =	vmul.u32 $0xF0, v7;
	[tilespmem:s14+$0x70] =	vst v0  }
0x33: {  	v0 =	vadd.s32 v1, v5  }
0x34: {  	s19 =	sshra.s32 s15, $0x2;
	s15 =	smov.u32 s18;
	[tilespmem:s14+$0x10] =	vst v0;
	v0 =	vadd.s32 v4, v2  }
0x35: {  	s18 =	sadd.s32 $0x1900, s19;
	[tilespmem:s14+$0x20] =	vst v0  }
0x36: {  	[tilespmem:s18], [sflag:$0x1] =	stream.indirect.gather [hbm4b:s4+s10], $0x10, s14, s10, $0xb8;
	[tilespmem:$0x1B110] =	vst v63  }
0x37: {  	s14 =	smov.u32 s17;
	v5 =	vld [tilespmem:s17+$0x30]  }
0x38: {  	v6 =	vld [tilespmem:s17+$0x40]  }
0x39: {  	v2 =	vld [tilespmem:s17+$0x0]  }
0x3a: {  	v0 =	vld [tilespmem:s17+$0x70]  }
0x3b: {  	v3 =	vld [tilespmem:s17+$0x60]  }
0x3c: {  	v7 =	vcvt.s32.f32 v5;
	v8 =	vld [tilespmem:s17+$0x50]  }
0x3d: {  	v1 =	vld [tilespmem:s17+$0x10];
	v9 =	vcvt.s32.f32 v6  }
0x3e: {  	v10 =	vcvt.s32.f32 v2;
	v4 =	vld [tilespmem:s17+$0x20];
	v7 =	vadd.f32 $5.000000000e-01, v7  }
0x3f: {  	v9 =	vadd.f32 $5.000000000e-01, v9;
	v11 =	vcvt.s32.f32 v0  }
0x40: {  	v10 =	vadd.f32 $5.000000000e-01, v10;
	v7 =	vmul.f32 $9.999999740e-05, v7;
	v12 =	vcvt.s32.f32 v3  }
0x41: {  	v9 =	vmul.f32 $9.999999740e-05, v9;
	v13 =	vcvt.s32.f32 v8;
	v11 =	vadd.f32 $5.000000000e-01, v11  }
0x42: {  	v10 =	vmul.f32 $9.999999740e-05, v10;
	v14 =	vcvt.s32.f32 v1;
	v12 =	vadd.f32 $5.000000000e-01, v12  }
0x43: {  	v7 =	vtrunc.f32 v7;
	v13 =	vadd.f32 $5.000000000e-01, v13;
	v11 =	vmul.f32 $9.999999740e-05, v11  }
0x44: {  	v7 =	vcvt.f32.s32 v7;
	v14 =	vadd.f32 $5.000000000e-01, v14;
	v12 =	vmul.f32 $9.999999740e-05, v12  }
0x45: {  	v9 =	vtrunc.f32 v9;
	v13 =	vmul.f32 $9.999999740e-05, v13  }
0x46: {  	v9 =	vcvt.f32.s32 v9;
	v7 =	vmul.u32 $0xF0, v7;
	v14 =	vmul.f32 $9.999999740e-05, v14  }
0x47: {  	v12 =	vtrunc.f32 v12;
	v13 =	vtrunc.f32 v13  }
0x48: {  	v10 =	vtrunc.f32 v10;
	v9 =	vmul.u32 $0xF0, v9;
	v13 =	vcvt.f32.s32 v13  }
0x49: {  	v15 =	vcvt.s32.f32 v4;
	v5 =	vadd.s32 v5, v7;
	v14 =	vtrunc.f32 v14  }
.Ltmp0:
0x4a: {  	v7 =	vtrunc.f32 v11;
	[tilespmem:s17+$0x30] =	vst v5;
	v5 =	vadd.s32 v6, v9;
	v6 =	vmul.u32 $0xF0, v13;
	(pc) =	sbr.rel @p0 .LBB2_2-.Ltmp0, $4  }
0x4b: {  	v11 =	vadd.f32 $5.000000000e-01, v15;
	v12 =	vcvt.f32.s32 v12;
	v9 =	vcvt.f32.s32 v14;
	[tilespmem:s17+$0x40] =	vst v5  }
0x4c: {  	v10 =	vcvt.f32.s32 v10;
	v13 =	vcvt.f32.s32 v7;
	v6 =	vadd.s32 v8, v6  }
0x4d: {  	v5 =	vmul.u32 $0xF0, v9;
	v8 =	vmul.f32 $9.999999740e-05, v11;
	v9 =	vmul.u32 $0xF0, v12;
	[tilespmem:s17+$0x50] =	vst v6  }
0x4e: {  	v7 =	vmul.u32 $0xF0, v10;
	v6 =	vmul.u32 $0xF0, v13  }
0x4f: {  	v8 =	vtrunc.f32 v8  }
0x50: {  	v3 =	vadd.s32 v3, v9;
	v8 =	vcvt.f32.s32 v8  }
0x51: {  	v2 =	vadd.s32 v2, v7;
	[tilespmem:s14+$0x60] =	vst v3  }
0x52: {  	v0 =	vadd.s32 v0, v6;
	[tilespmem:s14+$0x0] =	vst v2;
	v2 =	vmul.u32 $0xF0, v8  }
0x53: {  	[tilespmem:s14+$0x70] =	vst v0;
	v0 =	vadd.s32 v1, v5  }
0x54: {  	s15 =	sshra.s32 s15, $0x2;
	[tilespmem:s14+$0x10] =	vst v0;
	v0 =	vadd.s32 v4, v2  }
0x55: {  	s15 =	sadd.s32 $0x1900, s15;
	[tilespmem:s14+$0x20] =	vst v0  }
0x56: {  	[tilespmem:s15], [sflag:$0x1] =	stream.indirect.gather [hbm4b:s4+s10], $0x10, s14, s10, $0xb8;
	[tilespmem:$0x1B110] =	vst v63  }
0x57: {  	_ =	swait.ge [sflag:s11], $0x800  }
0x58: {  	[sflag:s11] =	ssyncset.done $0x0  }
0x59: {  	[sflag:s11] =	ssyncadd.s32 $0xFFFFF800  }
0x5a: {  	_ =	swait.ge [sflag:s11], $0x800  }
0x5b: {  	[sflag:s11] =	ssyncset.done $0x0  }
0x5c: {  	[sflag:s11] =	ssyncadd.s32 $0xFFFFF800  }
0x5d: {  	_ =	swait.ge [sflag:s11], $0x800  }
0x5e: {  	[sflag:s11] =	ssyncset.done $0x0  }
0x5f: {  	[sflag:s11] =	ssyncadd.s32 $0xFFFFF800  }
0x60: {  	_ =	swait.ge [sflag:s11], $0x800  }
0x61: {  	[sflag:s11] =	ssyncset.done $0x0  }
0x62: {  	[sflag:s11] =	ssyncadd.s32 $0xFFFFF800  }
0x63: {  	_ =	swait.ge [sflag:s11], $0x800  }
0x64: {  	[sflag:s11] =	ssyncset.done $0x0  }
0x65: {  	[sflag:s11] =	ssyncadd.s32 $0xFFFFF800  }
0x66: {  	_ =	swait.ge [sflag:s11], $0x800  }
0x67: {  	[sflag:s11] =	ssyncset.done $0x0  }
0x68: {  	[sflag:s11] =	ssyncadd.s32 $0xFFFFF800  }
0x69: {  	_ =	swait.ge [sflag:s11], $0x800  }
0x6a: {  	[sflag:s11] =	ssyncset.done $0x0  }
0x6b: {  	[sflag:s11] =	ssyncadd.s32 $0xFFFFF800  }
0x6c: {  	_ =	swait.ge [sflag:s11], $0x800  }
0x6d: {  	[sflag:s11] =	ssyncset.done $0x0  }
0x6e: {  	[sflag:s11] =	ssyncadd.s32 $0xFFFFF800  }
0x6f: {  	_ =	swait.ge [sflag:s11], $0x800  }
0x70: {  	[sflag:s11] =	ssyncset.done $0x0  }
0x71: {  	[sflag:s11] =	ssyncadd.s32 $0xFFFFF800  }
0x72: {  	_ =	swait.ge [sflag:s11], $0x800  }
0x73: {  	[sflag:s11] =	ssyncset.done $0x0  }
0x74: {  	[sflag:s11] =	ssyncadd.s32 $0xFFFFF800  }
0x75: {  	_ =	swait.ge [sflag:s11], $0x800  }
0x76: {  	[sflag:s11] =	ssyncset.done $0x0  }
0x77: {  	[sflag:s11] =	ssyncadd.s32 $0xFFFFF800  }
0x78: {  	_ =	swait.ge [sflag:s11], $0x800  }
0x79: {  	[sflag:s11] =	ssyncset.done $0x0  }
0x7a: {  	[sflag:s11] =	ssyncadd.s32 $0xFFFFF800  }
0x7b: {  	_ =	swait.ge [sflag:s11], $0x800  }
0x7c: {  	[sflag:s11] =	ssyncset.done $0x0  }
0x7d: {  	[sflag:s11] =	ssyncadd.s32 $0xFFFFF800  }
0x7e: {  	_ =	swait.ge [sflag:s11], $0x800  }
0x7f: {  	[sflag:s11] =	ssyncset.done $0x0  }
0x80: {  	[sflag:s11] =	ssyncadd.s32 $0xFFFFF800  }
0x81: {  	_ =	swait.ge [sflag:s11], $0x800  }
0x82: {  	[sflag:s11] =	ssyncset.done $0x0  }
0x83: {  	[sflag:s11] =	ssyncadd.s32 $0xFFFFF800  }
0x84: {  	_ =	swait.ge [sflag:s11], $0x800  }
0x85: {  	[sflag:s11] =	ssyncset.done $0x0  }
0x86: {  	[sflag:s11] =	ssyncadd.s32 $0xFFFFF800  }
0x87: {  	_ =	swait.ge [sflag:s11], $0x800  }
0x88: {  	[sflag:s11] =	ssyncset.done $0x0  }
0x89: {  	[sflag:s11] =	ssyncadd.s32 $0xFFFFF800  }
0x8a: {  	_ =	swait.ge [sflag:s11], $0x800  }
0x8b: {  	[sflag:s11] =	ssyncset.done $0x0  }
0x8c: {  	[sflag:s11] =	ssyncadd.s32 $0xFFFFF800  }
0x8d: {  	_ =	swait.ge [sflag:s11], $0x800  }
0x8e: {  	[sflag:s11] =	ssyncset.done $0x0  }
0x8f: {  	[sflag:s11] =	ssyncadd.s32 $0xFFFFF800  }
0x90: {  	_ =	swait.ge [sflag:s11], $0x800  }
0x91: {  	[sflag:s11] =	ssyncset.done $0x0  }
0x92: {  	[sflag:s11] =	ssyncadd.s32 $0xFFFFF800  }
0x93: {  	_ =	swait.ge [sflag:s11], $0x800  }
0x94: {  	[sflag:s11] =	ssyncset.done $0x0  }
0x95: {  	[sflag:s11] =	ssyncadd.s32 $0xFFFFF800  }
0x96: {  	_ =	swait.ge [sflag:s11], $0x800  }
0x97: {  	[sflag:s11] =	ssyncset.done $0x0  }
0x98: {  	[sflag:s11] =	ssyncadd.s32 $0xFFFFF800  }
0x99: {  	_ =	swait.ge [sflag:s11], $0x800  }
0x9a: {  	[sflag:s11] =	ssyncset.done $0x0  }
0x9b: {  	[sflag:s11] =	ssyncadd.s32 $0xFFFFF800  }
0x9c: {  	_ =	swait.ge [sflag:s11], $0x800  }
0x9d: {  	[sflag:s11] =	ssyncset.done $0x0  }
0x9e: {  	[sflag:s11] =	ssyncadd.s32 $0xFFFFF800  }
0x9f: {  	_ =	swait.ge [sflag:s11], $0x800  }
0xa0: {  	[sflag:s11] =	ssyncset.done $0x0  }
0xa1: {  	s14 =	simm.s32 $0x1A90;
	[sflag:s11] =	ssyncadd.s32 $0xFFFFF800  }
0xa2: {  	v0 =	vld [tilespmem:s14+$0x140]  }
0xa3: {  	v1 =	vld [tilespmem:s14+$0x150]  }
0xa4: {  	v10 =	vld [tilespmem:s14+$0x130]  }
0xa5: {  	v2 =	vld [tilespmem:s14+$0xF0]  }
0xa6: {  	v3 =	vld [tilespmem:s14+$0x100]  }
0xa7: {  	v13 =	vld [tilespmem:s14+$0xE0]  }
0xa8: {  	v4 =	vld [tilespmem:s14+$0xA0]  }
0xa9: {  	v5 =	vld [tilespmem:s14+$0xB0]  }
0xaa: {  	v25 =	vld [tilespmem:s14+$0x90]  }
0xab: {  	v6 =	vld [tilespmem:s14+$0x50]  }
0xac: {  	v7 =	vld [tilespmem:s14+$0x60]  }
0xad: {  	v23 =	vld [tilespmem:s14+$0x40]  }
0xae: {  	v8 =	vld [tilespmem:s14+$0x0]  }
0xaf: {  	v9 =	vld [tilespmem:s14+$0x10]  }
0xb0: {  	v21 =	vld [tilespmem:s14+$0xFFFFFFF0]  }
0xb1: {  	v15 =	vld [tilespmem:s14+$0xFFFFFEB0]  }
0xb2: {  	v16 =	vld [tilespmem:s14+$0xFFFFFF00]  }
0xb3: {  	v11 =	vld [tilespmem:s14+$0xFFFFFFB0]  }
0xb4: {  	v17 =	vld [tilespmem:s14+$0xFFFFFF50]  }
0xb5: {  	v12 =	vld [tilespmem:s14+$0xFFFFFFC0]  }
0xb6: {  	v19 =	vld [tilespmem:s14+$0xFFFFFFA0]  }
0xb7: {  	v14 =	vld [tilespmem:s14+$0xFFFFFF60];
	v18 =	vadd.f32 v16, v15  }
0xb8: {  	v15 =	vld [tilespmem:s14+$0xFFFFFF70]  }
0xb9: {  	v16 =	vld [tilespmem:s14+$0xFFFFFF10];
	v20 =	vadd.f32 v17, v18  }
0xba: {  	v17 =	vld [tilespmem:s14+$0xFFFFFF20]  }
0xbb: {  	v18 =	vld [tilespmem:s14+$0xFFFFFEC0];
	v22 =	vadd.f32 v19, v20  }
0xbc: {  	v19 =	vld [tilespmem:s14+$0xFFFFFE70]  }
0xbd: {  	v20 =	vld [tilespmem:s14+$0xFFFFFE80];
	v24 =	vadd.f32 v21, v22  }
0xbe: {  	v22 =	vld [tilespmem:s14+$0xFFFFFED0]  }
0xbf: {  	v21 =	vld [tilespmem:s14+$0xFFFFFE90];
	v26 =	vadd.f32 v23, v24  }
0xc0: {  	v23 =	vld [tilespmem:s14+$0xFFFFFEE0]  }
0xc1: {  	v24 =	vld [tilespmem:s14+$0xFFFFFEA0];
	v26 =	vadd.f32 v25, v26  }
0xc2: {  	s16 =	simm.s32 $0x40;
	s15 =	simm.s32 $0x0;
	v25 =	vld [tilespmem:s14+$0xFFFFFEF0]  }
.LBB2_4:
0xc3: {  	p0 =	sne.s32 s16, $0xFC0;
	v27 =	vld [tilespmem:s14+$0xFFFFFF30];
	v13 =	vadd.f32 v13, v26  }
0xc4: {  	v26 =	vld [tilespmem:s14+$0xFFFFFF40]  }
0xc5: {  	v28 =	vld [tilespmem:s14+$0xFFFFFF80];
	v10 =	vadd.f32 v10, v13  }
0xc6: {  	v13 =	vadd.f32 v18, v19;
	v18 =	vadd.f32 v22, v20;
	v19 =	vld [tilespmem:s14+$0xFFFFFF90]  }
0xc7: {  	v20 =	vadd.f32 v23, v21;
	v21 =	vadd.f32 v25, v24;
	v22 =	vld [tilespmem:s14+$0xFFFFFFD0]  }
0xc8: {  	v13 =	vadd.f32 v16, v13;
	v16 =	vadd.f32 v17, v18;
	v17 =	vld [tilespmem:s14+$0xFFFFFFE0]  }
0xc9: {  	v18 =	vadd.f32 v27, v20;
	v20 =	vadd.f32 v26, v21;
	v21 =	vld [tilespmem:s14+$0x20]  }
0xca: {  	v13 =	vadd.f32 v14, v13;
	v14 =	vadd.f32 v15, v16;
	v15 =	vld [tilespmem:s14+$0x30]  }
0xcb: {  	v16 =	vadd.f32 v28, v18;
	v18 =	vadd.f32 v19, v20;
	v19 =	vld [tilespmem:s14+$0x70]  }
0xcc: {  	v11 =	vadd.f32 v11, v13;
	v12 =	vadd.f32 v12, v14;
	v13 =	vld [tilespmem:s14+$0x80]  }
0xcd: {  	v14 =	vadd.f32 v22, v16;
	v16 =	vadd.f32 v17, v18;
	v17 =	vld [tilespmem:s14+$0xC0]  }
0xce: {  	v8 =	vadd.f32 v8, v11;
	v9 =	vadd.f32 v9, v12;
	v11 =	vld [tilespmem:s14+$0xD0]  }
0xcf: {  	v12 =	vadd.f32 v21, v14;
	v14 =	vadd.f32 v15, v16;
	v15 =	vld [tilespmem:s14+$0x110]  }
0xd0: {  	v6 =	vadd.f32 v6, v8;
	v7 =	vadd.f32 v7, v9;
	v8 =	vld [tilespmem:s14+$0x120]  }
0xd1: {  	v9 =	vadd.f32 v19, v12;
	v12 =	vadd.f32 v13, v14;
	v13 =	vld [tilespmem:s14+$0x160]  }
0xd2: {  	v4 =	vadd.f32 v4, v6;
	v5 =	vadd.f32 v5, v7;
	v6 =	vld [tilespmem:s14+$0x170]  }
0xd3: {  	v7 =	vadd.f32 v17, v9;
	v9 =	vadd.f32 v11, v12;
	v11 =	vld [tilespmem:s14+$0x180]  }
0xd4: {  	v2 =	vadd.f32 v2, v4;
	v3 =	vadd.f32 v3, v5  }
0xd5: {  	v4 =	vadd.f32 v15, v7;
	v5 =	vadd.f32 v8, v9  }
0xd6: {  	v0 =	vadd.f32 v0, v2;
	v1 =	vadd.f32 v1, v3;
	v2 =	vld [tilespmem:$0x1B100]  }
0xd7: {  	v3 =	vadd.f32 v13, v4;
	v4 =	vadd.f32 v6, v5  }
0xd8: {  	v5 =	vadd.f32 v11, v10  }
0xd9: {  	v0 =	vadd.f32 v1, v0;
	v1 =	vadd.f32 v4, v3;
	_ =	sdelay $0x1  }
0xda: {  	v0 =	vadd.f32 v1, v0;
	v1 =	vadd.f32 v2, v5;
	_ =	sdelay $0x1  }
0xdb: {  	v0 =	vadd.f32 v1, v0  }
0xdc: {  	s17 =	sshra.s32 s15, $0x2;
	s15 =	smov.u32 s16  }
0xdd: {  	s14 =	sadd.s32 $0x320, s14;
	[tilespmem:s17+$0x1A900] =	vst v0  }
0xde: {  	v0 =	vld [tilespmem:s14+$0x140]  }
0xdf: {  	v1 =	vld [tilespmem:s14+$0x150]  }
0xe0: {  	v10 =	vld [tilespmem:s14+$0x130]  }
0xe1: {  	v2 =	vld [tilespmem:s14+$0xF0]  }
0xe2: {  	v3 =	vld [tilespmem:s14+$0x100]  }
0xe3: {  	v13 =	vld [tilespmem:s14+$0xE0]  }
0xe4: {  	v4 =	vld [tilespmem:s14+$0xA0]  }
0xe5: {  	v5 =	vld [tilespmem:s14+$0xB0]  }
0xe6: {  	v25 =	vld [tilespmem:s14+$0x90]  }
0xe7: {  	v6 =	vld [tilespmem:s14+$0x50]  }
0xe8: {  	v7 =	vld [tilespmem:s14+$0x60]  }
0xe9: {  	v23 =	vld [tilespmem:s14+$0x40]  }
0xea: {  	v8 =	vld [tilespmem:s14+$0x0]  }
0xeb: {  	v9 =	vld [tilespmem:s14+$0x10]  }
0xec: {  	v21 =	vld [tilespmem:s14+$0xFFFFFFF0]  }
0xed: {  	v14 =	vld [tilespmem:s14+$0xFFFFFEB0]  }
0xee: {  	v15 =	vld [tilespmem:s14+$0xFFFFFF00]  }
0xef: {  	v11 =	vld [tilespmem:s14+$0xFFFFFFB0]  }
0xf0: {  	v17 =	vld [tilespmem:s14+$0xFFFFFF50]  }
0xf1: {  	v12 =	vld [tilespmem:s14+$0xFFFFFFC0]  }
0xf2: {  	v19 =	vld [tilespmem:s14+$0xFFFFFFA0]  }
0xf3: {  	v18 =	vadd.f32 v15, v14;
	v14 =	vld [tilespmem:s14+$0xFFFFFF60]  }
0xf4: {  	v15 =	vld [tilespmem:s14+$0xFFFFFF70]  }
0xf5: {  	v16 =	vld [tilespmem:s14+$0xFFFFFF10];
	v20 =	vadd.f32 v17, v18  }
0xf6: {  	v17 =	vld [tilespmem:s14+$0xFFFFFF20]  }
0xf7: {  	v18 =	vld [tilespmem:s14+$0xFFFFFEC0];
	v22 =	vadd.f32 v19, v20  }
0xf8: {  	v19 =	vld [tilespmem:s14+$0xFFFFFE70]  }
0xf9: {  	v20 =	vld [tilespmem:s14+$0xFFFFFE80];
	v24 =	vadd.f32 v21, v22  }
.Ltmp1:
0xfa: {  	v22 =	vld [tilespmem:s14+$0xFFFFFED0];
	(pc) =	sbr.rel @p0 .LBB2_4-.Ltmp1, $4  }
0xfb: {  	v21 =	vld [tilespmem:s14+$0xFFFFFE90];
	v26 =	vadd.f32 v23, v24  }
0xfc: {  	v23 =	vld [tilespmem:s14+$0xFFFFFEE0]  }
0xfd: {  	v24 =	vld [tilespmem:s14+$0xFFFFFEA0];
	v26 =	vadd.f32 v25, v26  }
0xfe: {  	s16 =	sadd.s32 $0x40, s16;
	v25 =	vld [tilespmem:s14+$0xFFFFFEF0]  }
0xff: {  	v27 =	vld [tilespmem:s14+$0xFFFFFF30];
	v13 =	vadd.f32 v13, v26  }
0x100: {  	v26 =	vld [tilespmem:s14+$0xFFFFFF40]  }
0x101: {  	v28 =	vld [tilespmem:s14+$0xFFFFFF80];
	v10 =	vadd.f32 v10, v13  }
0x102: {  	v13 =	vadd.f32 v18, v19;
	v18 =	vadd.f32 v22, v20;
	v19 =	vld [tilespmem:s14+$0xFFFFFF90]  }
0x103: {  	v20 =	vadd.f32 v23, v21;
	v22 =	vld [tilespmem:s14+$0xFFFFFFD0];
	v21 =	vadd.f32 v25, v24  }
0x104: {  	v13 =	vadd.f32 v16, v13;
	v16 =	vadd.f32 v17, v18;
	v17 =	vld [tilespmem:s14+$0xFFFFFFE0]  }
0x105: {  	v18 =	vadd.f32 v27, v20;
	v20 =	vadd.f32 v26, v21;
	v21 =	vld [tilespmem:s14+$0x20]  }
0x106: {  	v13 =	vadd.f32 v14, v13;
	v14 =	vadd.f32 v15, v16;
	v15 =	vld [tilespmem:s14+$0x30]  }
0x107: {  	v16 =	vadd.f32 v28, v18;
	v18 =	vadd.f32 v19, v20;
	v19 =	vld [tilespmem:s14+$0x70]  }
0x108: {  	v11 =	vadd.f32 v11, v13;
	v12 =	vadd.f32 v12, v14;
	v13 =	vld [tilespmem:s14+$0x80]  }
0x109: {  	v14 =	vadd.f32 v22, v16;
	v16 =	vadd.f32 v17, v18;
	v17 =	vld [tilespmem:s14+$0xC0]  }
0x10a: {  	v8 =	vadd.f32 v8, v11;
	v9 =	vadd.f32 v9, v12;
	v11 =	vld [tilespmem:s14+$0xD0]  }
0x10b: {  	v12 =	vadd.f32 v21, v14;
	v14 =	vadd.f32 v15, v16;
	v15 =	vld [tilespmem:s14+$0x110]  }
0x10c: {  	v6 =	vadd.f32 v6, v8;
	v7 =	vadd.f32 v7, v9;
	v8 =	vld [tilespmem:s14+$0x120]  }
0x10d: {  	v9 =	vadd.f32 v19, v12;
	v12 =	vadd.f32 v13, v14;
	v13 =	vld [tilespmem:s14+$0x160]  }
0x10e: {  	v4 =	vadd.f32 v4, v6;
	v5 =	vadd.f32 v5, v7;
	v6 =	vld [tilespmem:s14+$0x170]  }
0x10f: {  	v7 =	vadd.f32 v17, v9;
	v9 =	vadd.f32 v11, v12  }
0x110: {  	v11 =	vld [tilespmem:s14+$0x180];
	v2 =	vadd.f32 v2, v4;
	v3 =	vadd.f32 v3, v5  }
0x111: {  	v4 =	vadd.f32 v15, v7;
	v5 =	vadd.f32 v8, v9  }
0x112: {  	v0 =	vadd.f32 v0, v2;
	v1 =	vadd.f32 v1, v3;
	v2 =	vld [tilespmem:$0x1B100]  }
0x113: {  	v3 =	vadd.f32 v13, v4;
	v4 =	vadd.f32 v6, v5  }
0x114: {  	v0 =	vadd.f32 v1, v0  }
0x115: {  	v5 =	vadd.f32 v11, v10;
	v1 =	vadd.f32 v4, v3;
	_ =	sdelay $0x1  }
0x116: {  	v0 =	vadd.f32 v1, v0;
	v1 =	vadd.f32 v2, v5;
	_ =	sdelay $0x1  }
0x117: {  	v0 =	vadd.f32 v1, v0  }
0x118: {  	s30 =	sshra.s32 s15, $0x2  }
0x119: {  	[tilespmem:s30+$0x1A900] =	vst v0  }
0x11a: {  	_ =	swait.ge [sflag:s11], $0x800  }
0x11b: {  	[sflag:s11] =	ssyncset.done $0x0  }
0x11c: {  	[sflag:s11] =	ssyncadd.s32 $0xFFFFF800  }
0x11d: {  	_ =	swait.ge [sflag:s11], $0x800  }
0x11e: {  	[sflag:s11] =	ssyncset.done $0x0  }
0x11f: {  	[sflag:s11] =	ssyncadd.s32 $0xFFFFF800  }
0x120: {  	_ =	swait.ge [sflag:s11], $0x800  }
0x121: {  	[sflag:s11] =	ssyncset.done $0x0  }
0x122: {  	[sflag:s11] =	ssyncadd.s32 $0xFFFFF800  }
0x123: {  	_ =	swait.ge [sflag:s11], $0x800  }
0x124: {  	[sflag:s11] =	ssyncset.done $0x0  }
0x125: {  	[sflag:s11] =	ssyncadd.s32 $0xFFFFF800  }
0x126: {  	_ =	swait.ge [sflag:s11], $0x800  }
0x127: {  	[sflag:s11] =	ssyncset.done $0x0  }
0x128: {  	[sflag:s11] =	ssyncadd.s32 $0xFFFFF800  }
0x129: {  	_ =	swait.ge [sflag:s11], $0x800  }
0x12a: {  	[sflag:s11] =	ssyncset.done $0x0  }
0x12b: {  	[sflag:s11] =	ssyncadd.s32 $0xFFFFF800  }
0x12c: {  	_ =	swait.ge [sflag:s11], $0x800  }
0x12d: {  	[sflag:s11] =	ssyncset.done $0x0  }
0x12e: {  	[sflag:s11] =	ssyncadd.s32 $0xFFFFF800  }
0x12f: {  	_ =	swait.ge [sflag:s11], $0x800  }
0x130: {  	[sflag:s11] =	ssyncset.done $0x0  }
0x131: {  	[sflag:s11] =	ssyncadd.s32 $0xFFFFF800  }
0x132: {  	_ =	swait.ge [sflag:s11], $0x800  }
0x133: {  	[sflag:s11] =	ssyncset.done $0x0  }
0x134: {  	[sflag:s11] =	ssyncadd.s32 $0xFFFFF800  }
0x135: {  	_ =	swait.ge [sflag:s11], $0x800  }
0x136: {  	[sflag:s11] =	ssyncset.done $0x0  }
0x137: {  	[sflag:s11] =	ssyncadd.s32 $0xFFFFF800  }
0x138: {  	_ =	swait.ge [sflag:s11], $0x800  }
0x139: {  	[sflag:s11] =	ssyncset.done $0x0  }
0x13a: {  	[sflag:s11] =	ssyncadd.s32 $0xFFFFF800  }
0x13b: {  	_ =	swait.ge [sflag:s11], $0x800  }
0x13c: {  	[sflag:s11] =	ssyncset.done $0x0  }
0x13d: {  	[sflag:s11] =	ssyncadd.s32 $0xFFFFF800  }
0x13e: {  	_ =	swait.ge [sflag:s11], $0x800  }
0x13f: {  	[sflag:s11] =	ssyncset.done $0x0  }
0x140: {  	[sflag:s11] =	ssyncadd.s32 $0xFFFFF800  }
0x141: {  	_ =	swait.ge [sflag:s11], $0x800  }
0x142: {  	[sflag:s11] =	ssyncset.done $0x0  }
0x143: {  	[sflag:s11] =	ssyncadd.s32 $0xFFFFF800  }
0x144: {  	_ =	swait.ge [sflag:s11], $0x800  }
0x145: {  	[sflag:s11] =	ssyncset.done $0x0  }
0x146: {  	[sflag:s11] =	ssyncadd.s32 $0xFFFFF800  }
0x147: {  	_ =	swait.ge [sflag:s11], $0x800  }
0x148: {  	[sflag:s11] =	ssyncset.done $0x0  }
0x149: {  	[sflag:s11] =	ssyncadd.s32 $0xFFFFF800  }
0x14a: {  	_ =	swait.ge [sflag:s11], $0x800  }
0x14b: {  	[sflag:s11] =	ssyncset.done $0x0  }
0x14c: {  	[sflag:s11] =	ssyncadd.s32 $0xFFFFF800  }
0x14d: {  	_ =	swait.ge [sflag:s11], $0x800  }
0x14e: {  	[sflag:s11] =	ssyncset.done $0x0  }
0x14f: {  	[sflag:s11] =	ssyncadd.s32 $0xFFFFF800  }
0x150: {  	_ =	swait.ge [sflag:s11], $0x800  }
0x151: {  	[sflag:s11] =	ssyncset.done $0x0  }
0x152: {  	[sflag:s11] =	ssyncadd.s32 $0xFFFFF800  }
0x153: {  	_ =	swait.ge [sflag:s11], $0x800  }
0x154: {  	[sflag:s11] =	ssyncset.done $0x0  }
0x155: {  	[sflag:s11] =	ssyncadd.s32 $0xFFFFF800  }
0x156: {  	_ =	swait.ge [sflag:s11], $0x800  }
0x157: {  	[sflag:s11] =	ssyncset.done $0x0  }
0x158: {  	[sflag:s11] =	ssyncadd.s32 $0xFFFFF800  }
0x159: {  	_ =	swait.ge [sflag:s11], $0x800  }
0x15a: {  	[sflag:s11] =	ssyncset.done $0x0  }
0x15b: {  	[sflag:s11] =	ssyncadd.s32 $0xFFFFF800  }
0x15c: {  	_ =	swait.ge [sflag:s11], $0x800  }
0x15d: {  	[sflag:s11] =	ssyncset.done $0x0  }
0x15e: {  	[sflag:s11] =	ssyncadd.s32 $0xFFFFF800  }
0x15f: {  	_ =	swait.ge [sflag:s11], $0x800  }
0x160: {  	[sflag:s11] =	ssyncset.done $0x0  }
0x161: {  	[sflag:s11] =	ssyncadd.s32 $0xFFFFF800  }
0x162: {  	_ =	swait.ge [sflag:s11], $0x800  }
0x163: {  	[sflag:s11] =	ssyncset.done $0x0  }
0x164: {  	s31 =	simm.s32 $0x0;
	[sflag:s11] =	ssyncadd.s32 $0xFFFFF800  }
0x165: {  	v0 =	vld [tilespmem:s31+$0xE3D0]  }
0x166: {  	v1 =	vld [tilespmem:s31+$0xE3E0]  }
0x167: {  	v2 =	vld [tilespmem:s31+$0xE3C0]  }
0x168: {  	v3 =	vld [tilespmem:s31+$0xE380]  }
0x169: {  	v4 =	vld [tilespmem:s31+$0xE390]  }
0x16a: {  	v5 =	vld [tilespmem:s31+$0xE370]  }
0x16b: {  	v6 =	vld [tilespmem:s31+$0xE330]  }
0x16c: {  	v7 =	vld [tilespmem:s31+$0xE340]  }
0x16d: {  	v8 =	vld [tilespmem:s31+$0xE320]  }
0x16e: {  	v9 =	vld [tilespmem:s31+$0xE2E0]  }
0x16f: {  	v10 =	vld [tilespmem:s31+$0xE2F0]  }
0x170: {  	v11 =	vld [tilespmem:s31+$0xE2D0]  }
0x171: {  	v12 =	vld [tilespmem:s31+$0xE290]  }
0x172: {  	v13 =	vld [tilespmem:s31+$0xE2A0]  }
0x173: {  	v14 =	vld [tilespmem:s31+$0xE280]  }
0x174: {  	v15 =	vld [tilespmem:s31+$0xE140]  }
0x175: {  	v16 =	vld [tilespmem:s31+$0xE190]  }
0x176: {  	v17 =	vld [tilespmem:s31+$0xE240]  }
0x177: {  	v18 =	vld [tilespmem:s31+$0xE1E0]  }
0x178: {  	v19 =	vld [tilespmem:s31+$0xE250]  }
0x179: {  	v20 =	vld [tilespmem:s31+$0xE230]  }
0x17a: {  	v21 =	vld [tilespmem:s31+$0xE200]  }
0x17b: {  	v22 =	vld [tilespmem:s31+$0xE1A0];
	v15 =	vadd.f32 v16, v15  }
0x17c: {  	v23 =	vld [tilespmem:s31+$0xE150]  }
0x17d: {  	v24 =	vld [tilespmem:s31+$0xE110];
	v15 =	vadd.f32 v18, v15  }
0x17e: {  	v25 =	vld [tilespmem:s31+$0xE120]  }
0x17f: {  	v26 =	vld [tilespmem:s31+$0xE130];
	v15 =	vadd.f32 v20, v15  }
0x180: {  	v27 =	vld [tilespmem:s31+$0xE1C0]  }
0x181: {  	v18 =	vld [tilespmem:s31+$0xE1B0];
	v14 =	vadd.f32 v14, v15  }
0x182: {  	v15 =	vld [tilespmem:s31+$0xE160]  }
0x183: {  	v11 =	vadd.f32 v11, v14;
	v14 =	vld [tilespmem:s31+$0xE170]  }
0x184: {  	v20 =	vld [tilespmem:s31+$0xE100]  }
0x185: {  	v8 =	vadd.f32 v8, v11;
	v11 =	vld [tilespmem:s31+$0xE180]  }
0x186: {  	v63 =	vld [tilespmem:s31+$0xE210]  }
0x187: {  	v5 =	vadd.f32 v5, v8;
	v8 =	vld [tilespmem:s31+$0xE1D0]  }
0x188: {  	v16 =	vld [tilespmem:s31+$0xE1F0];
	v15 =	vadd.f32 v15, v24;
	v14 =	vadd.f32 v14, v25  }
0x189: {  	v2 =	vadd.f32 v2, v5;
	v5 =	vadd.f32 v23, v20;
	v20 =	vld [tilespmem:s31+$0xE220]  }
0x18a: {  	v15 =	vadd.f32 v18, v15;
	v18 =	vld [tilespmem:s31+$0xE270];
	v11 =	vadd.f32 v11, v26  }
0x18b: {  	v23 =	vld [tilespmem:s31+$0xE260];
	v5 =	vadd.f32 v22, v5  }
0x18c: {  	v14 =	vadd.f32 v27, v14;
	v8 =	vadd.f32 v8, v11;
	v11 =	vld [tilespmem:s31+$0xE2B0]  }
0x18d: {  	v15 =	vadd.f32 v21, v15;
	v5 =	vadd.f32 v16, v5;
	v16 =	vld [tilespmem:s31+$0xE2C0]  }
0x18e: {  	v14 =	vadd.f32 v63, v14;
	v8 =	vadd.f32 v20, v8;
	v20 =	vld [tilespmem:s31+$0xE300]  }
0x18f: {  	v15 =	vadd.f32 v19, v15;
	v5 =	vadd.f32 v17, v5;
	v17 =	vld [tilespmem:s31+$0xE310]  }
0x190: {  	v14 =	vadd.f32 v23, v14;
	v8 =	vadd.f32 v18, v8;
	v18 =	vld [tilespmem:s31+$0xE350]  }
0x191: {  	v5 =	vadd.f32 v12, v5;
	v12 =	vadd.f32 v13, v15;
	v13 =	vld [tilespmem:s31+$0xE360]  }
0x192: {  	v11 =	vadd.f32 v11, v14;
	v14 =	vld [tilespmem:s31+$0xE3A0];
	v8 =	vadd.f32 v16, v8  }
0x193: {  	v5 =	vadd.f32 v9, v5;
	v9 =	vadd.f32 v10, v12;
	v10 =	vld [tilespmem:s31+$0xE3B0]  }
0x194: {  	v11 =	vadd.f32 v20, v11;
	v12 =	vld [tilespmem:s31+$0xE3F0];
	v8 =	vadd.f32 v17, v8  }
0x195: {  	v5 =	vadd.f32 v6, v5;
	v6 =	vadd.f32 v7, v9;
	v7 =	vld [tilespmem:s31+$0xE400]  }
0x196: {  	v9 =	vadd.f32 v18, v11;
	v11 =	vld [tilespmem:s31+$0xE410];
	v8 =	vadd.f32 v13, v8  }
0x197: {  	v3 =	vadd.f32 v3, v5;
	v4 =	vadd.f32 v4, v6  }
0x198: {  	v5 =	vadd.f32 v14, v9;
	v6 =	vadd.f32 v10, v8  }
0x199: {  	v0 =	vadd.f32 v0, v3;
	v1 =	vadd.f32 v1, v4;
	v3 =	vld [tilespmem:$0x1B100]  }
0x19a: {  	v4 =	vadd.f32 v12, v5;
	v5 =	vadd.f32 v7, v6  }
0x19b: {  	v2 =	vadd.f32 v11, v2  }
0x19c: {  	v0 =	vadd.f32 v1, v0;
	v1 =	vadd.f32 v5, v4;
	_ =	sdelay $0x1  }
0x19d: {  	v0 =	vadd.f32 v1, v0;
	v1 =	vadd.f32 v3, v2;
	_ =	sdelay $0x1  }
0x19e: {  	v0 =	vadd.f32 v1, v0  }
0x19f: {  	s14 =	simm.s32 $0x1AD00  }
0x1a0: {  	s15 =	simm.s32 $0x320;
	[tilespmem:s14+$0x0] =	vst v0  }
0x1a1: {  	v0 =	vld [tilespmem:s15+$0xE3D0]  }
0x1a2: {  	v1 =	vld [tilespmem:s15+$0xE3E0]  }
0x1a3: {  	v10 =	vld [tilespmem:s15+$0xE3C0]  }
0x1a4: {  	v2 =	vld [tilespmem:s15+$0xE380]  }
0x1a5: {  	v3 =	vld [tilespmem:s15+$0xE390]  }
0x1a6: {  	v13 =	vld [tilespmem:s15+$0xE370]  }
0x1a7: {  	v4 =	vld [tilespmem:s15+$0xE330]  }
0x1a8: {  	v5 =	vld [tilespmem:s15+$0xE340]  }
0x1a9: {  	v25 =	vld [tilespmem:s15+$0xE320]  }
0x1aa: {  	v6 =	vld [tilespmem:s15+$0xE2E0]  }
0x1ab: {  	v7 =	vld [tilespmem:s15+$0xE2F0]  }
0x1ac: {  	v23 =	vld [tilespmem:s15+$0xE2D0]  }
0x1ad: {  	v8 =	vld [tilespmem:s15+$0xE290]  }
0x1ae: {  	v9 =	vld [tilespmem:s15+$0xE2A0]  }
0x1af: {  	v21 =	vld [tilespmem:s15+$0xE280]  }
0x1b0: {  	v14 =	vld [tilespmem:s15+$0xE140]  }
0x1b1: {  	v15 =	vld [tilespmem:s15+$0xE190]  }
0x1b2: {  	v11 =	vld [tilespmem:s15+$0xE240]  }
0x1b3: {  	v17 =	vld [tilespmem:s15+$0xE1E0]  }
0x1b4: {  	v12 =	vld [tilespmem:s15+$0xE250]  }
0x1b5: {  	v19 =	vld [tilespmem:s15+$0xE230]  }
0x1b6: {  	v16 =	vld [tilespmem:s15+$0xE1A0];
	v18 =	vadd.f32 v15, v14  }
0x1b7: {  	v14 =	vld [tilespmem:s15+$0xE1F0]  }
0x1b8: {  	v15 =	vld [tilespmem:s15+$0xE200];
	v20 =	vadd.f32 v17, v18  }
0x1b9: {  	v17 =	vld [tilespmem:s15+$0xE1B0]  }
0x1ba: {  	v18 =	vld [tilespmem:s15+$0xE150];
	v22 =	vadd.f32 v19, v20  }
0x1bb: {  	v19 =	vld [tilespmem:s15+$0xE100]  }
0x1bc: {  	v20 =	vld [tilespmem:s15+$0xE110];
	v24 =	vadd.f32 v21, v22  }
0x1bd: {  	v22 =	vld [tilespmem:s15+$0xE160]  }
0x1be: {  	v21 =	vld [tilespmem:s15+$0xE120];
	v26 =	vadd.f32 v23, v24  }
0x1bf: {  	v23 =	vld [tilespmem:s15+$0xE170]  }
0x1c0: {  	s16 =	simm.s32 $0x1900;
	v24 =	vld [tilespmem:s15+$0xE130];
	v25 =	vadd.f32 v25, v26  }
.LBB2_6:
0x1c1: {  	p0 =	sne.s32 s16, $0x31380;
	v26 =	vld [tilespmem:s15+$0xE180]  }
0x1c2: {  	v27 =	vld [tilespmem:s15+$0xE1C0];
	v13 =	vadd.f32 v13, v25  }
0x1c3: {  	v25 =	vld [tilespmem:s15+$0xE1D0]  }
0x1c4: {  	v28 =	vld [tilespmem:s15+$0xE210];
	v10 =	vadd.f32 v10, v13  }
0x1c5: {  	v13 =	vadd.f32 v18, v19;
	v18 =	vadd.f32 v22, v20;
	v19 =	vld [tilespmem:s15+$0xE220]  }
0x1c6: {  	v20 =	vadd.f32 v23, v21;
	v21 =	vadd.f32 v26, v24;
	v22 =	vld [tilespmem:s15+$0xE260]  }
0x1c7: {  	v13 =	vadd.f32 v16, v13;
	v16 =	vadd.f32 v17, v18;
	v17 =	vld [tilespmem:s15+$0xE270]  }
0x1c8: {  	v18 =	vadd.f32 v27, v20;
	v20 =	vadd.f32 v25, v21;
	v21 =	vld [tilespmem:s15+$0xE2B0]  }
0x1c9: {  	v13 =	vadd.f32 v14, v13;
	v14 =	vadd.f32 v15, v16;
	v15 =	vld [tilespmem:s15+$0xE2C0]  }
0x1ca: {  	v16 =	vadd.f32 v28, v18;
	v18 =	vadd.f32 v19, v20;
	v19 =	vld [tilespmem:s15+$0xE300]  }
0x1cb: {  	v11 =	vadd.f32 v11, v13;
	v12 =	vadd.f32 v12, v14;
	v13 =	vld [tilespmem:s15+$0xE310]  }
0x1cc: {  	v14 =	vadd.f32 v22, v16;
	v16 =	vadd.f32 v17, v18;
	v17 =	vld [tilespmem:s15+$0xE350]  }
0x1cd: {  	v8 =	vadd.f32 v8, v11;
	v9 =	vadd.f32 v9, v12;
	v11 =	vld [tilespmem:s15+$0xE360]  }
0x1ce: {  	v12 =	vadd.f32 v21, v14;
	v14 =	vadd.f32 v15, v16;
	v15 =	vld [tilespmem:s15+$0xE3A0]  }
0x1cf: {  	v6 =	vadd.f32 v6, v8;
	v7 =	vadd.f32 v7, v9;
	v8 =	vld [tilespmem:s15+$0xE3B0]  }
0x1d0: {  	v9 =	vadd.f32 v19, v12;
	v12 =	vadd.f32 v13, v14;
	v13 =	vld [tilespmem:s15+$0xE3F0]  }
0x1d1: {  	v4 =	vadd.f32 v4, v6;
	v5 =	vadd.f32 v5, v7;
	v6 =	vld [tilespmem:s15+$0xE400]  }
0x1d2: {  	v7 =	vadd.f32 v17, v9;
	v9 =	vadd.f32 v11, v12;
	v11 =	vld [tilespmem:s15+$0xE410]  }
0x1d3: {  	v2 =	vadd.f32 v2, v4;
	v3 =	vadd.f32 v3, v5  }
0x1d4: {  	v4 =	vadd.f32 v15, v7;
	v5 =	vadd.f32 v8, v9  }
0x1d5: {  	v0 =	vadd.f32 v0, v2;
	v1 =	vadd.f32 v1, v3;
	v2 =	vld [tilespmem:$0x1B100]  }
0x1d6: {  	v3 =	vadd.f32 v13, v4;
	v4 =	vadd.f32 v6, v5  }
0x1d7: {  	v5 =	vadd.f32 v11, v10  }
0x1d8: {  	v0 =	vadd.f32 v1, v0;
	v1 =	vadd.f32 v4, v3;
	_ =	sdelay $0x1  }
0x1d9: {  	v0 =	vadd.f32 v1, v0;
	v1 =	vadd.f32 v2, v5;
	_ =	sdelay $0x1  }
0x1da: {  	v0 =	vadd.f32 v1, v0  }
0x1db: {  	s14 =	sadd.s32 $0x10, s14  }
0x1dc: {  	s15 =	sshra.s32 s16, $0x2;
	[tilespmem:s14+$0x0] =	vst v0  }
0x1dd: {  	v0 =	vld [tilespmem:s15+$0xE3D0]  }
0x1de: {  	v1 =	vld [tilespmem:s15+$0xE3E0]  }
0x1df: {  	v10 =	vld [tilespmem:s15+$0xE3C0]  }
0x1e0: {  	v2 =	vld [tilespmem:s15+$0xE380]  }
0x1e1: {  	v3 =	vld [tilespmem:s15+$0xE390]  }
0x1e2: {  	v13 =	vld [tilespmem:s15+$0xE370]  }
0x1e3: {  	v4 =	vld [tilespmem:s15+$0xE330]  }
0x1e4: {  	v5 =	vld [tilespmem:s15+$0xE340]  }
0x1e5: {  	v25 =	vld [tilespmem:s15+$0xE320]  }
0x1e6: {  	v6 =	vld [tilespmem:s15+$0xE2E0]  }
0x1e7: {  	v7 =	vld [tilespmem:s15+$0xE2F0]  }
0x1e8: {  	v23 =	vld [tilespmem:s15+$0xE2D0]  }
0x1e9: {  	v8 =	vld [tilespmem:s15+$0xE290]  }
0x1ea: {  	v9 =	vld [tilespmem:s15+$0xE2A0]  }
0x1eb: {  	v21 =	vld [tilespmem:s15+$0xE280]  }
0x1ec: {  	v14 =	vld [tilespmem:s15+$0xE140]  }
0x1ed: {  	v15 =	vld [tilespmem:s15+$0xE190]  }
0x1ee: {  	v11 =	vld [tilespmem:s15+$0xE240]  }
0x1ef: {  	v17 =	vld [tilespmem:s15+$0xE1E0]  }
0x1f0: {  	v12 =	vld [tilespmem:s15+$0xE250]  }
0x1f1: {  	v19 =	vld [tilespmem:s15+$0xE230]  }
0x1f2: {  	v18 =	vadd.f32 v15, v14;
	v14 =	vld [tilespmem:s15+$0xE1F0]  }
0x1f3: {  	v15 =	vld [tilespmem:s15+$0xE200]  }
0x1f4: {  	v16 =	vld [tilespmem:s15+$0xE1A0];
	v20 =	vadd.f32 v17, v18  }
0x1f5: {  	v17 =	vld [tilespmem:s15+$0xE1B0]  }
0x1f6: {  	v18 =	vld [tilespmem:s15+$0xE150];
	v22 =	vadd.f32 v19, v20  }
0x1f7: {  	v19 =	vld [tilespmem:s15+$0xE100]  }
.Ltmp2:
0x1f8: {  	v20 =	vld [tilespmem:s15+$0xE110];
	v24 =	vadd.f32 v21, v22;
	(pc) =	sbr.rel @p0 .LBB2_6-.Ltmp2, $4  }
0x1f9: {  	v22 =	vld [tilespmem:s15+$0xE160]  }
0x1fa: {  	v21 =	vld [tilespmem:s15+$0xE120];
	v26 =	vadd.f32 v23, v24  }
0x1fb: {  	v23 =	vld [tilespmem:s15+$0xE170]  }
0x1fc: {  	s16 =	sadd.s32 $0xC80, s16;
	v24 =	vld [tilespmem:s15+$0xE130];
	v25 =	vadd.f32 v25, v26  }
0x1fd: {  	v26 =	vld [tilespmem:s15+$0xE180]  }
0x1fe: {  	v27 =	vld [tilespmem:s15+$0xE1C0]  }
0x1ff: {  	v59 =	vld [tilespmem:s15+$0xE1D0];
	v13 =	vadd.f32 v13, v25  }
0x200: {  	v28 =	vld [tilespmem:s15+$0xE210];
	v60 =	vadd.f32 v18, v19  }
0x201: {  	v62 =	vld [tilespmem:s15+$0xE220];
	v61 =	vadd.f32 v22, v20;
	v10 =	vadd.f32 v10, v13  }
0x202: {  	v29 =	vld [tilespmem:s15+$0xE260];
	v63 =	vadd.f32 v23, v21;
	v26 =	vadd.f32 v26, v24  }
0x203: {  	v31 =	vld [tilespmem:s15+$0xE270];
	v13 =	vadd.f32 v16, v60;
	v30 =	vadd.f32 v17, v61  }
0x204: {  	v34 =	vld [tilespmem:s15+$0xE2B0];
	v32 =	vadd.f32 v27, v63;
	v33 =	vadd.f32 v59, v26  }
0x205: {  	v36 =	vld [tilespmem:s15+$0xE2C0];
	v13 =	vadd.f32 v14, v13;
	v35 =	vadd.f32 v15, v30  }
0x206: {  	v39 =	vld [tilespmem:s15+$0xE300];
	v37 =	vadd.f32 v28, v32;
	v38 =	vadd.f32 v62, v33  }
0x207: {  	v40 =	vld [tilespmem:s15+$0xE310];
	v11 =	vadd.f32 v11, v13;
	v12 =	vadd.f32 v12, v35  }
0x208: {  	v43 =	vld [tilespmem:s15+$0xE350];
	v41 =	vadd.f32 v29, v37;
	v42 =	vadd.f32 v31, v38  }
0x209: {  	v44 =	vld [tilespmem:s15+$0xE360];
	v8 =	vadd.f32 v8, v11;
	v9 =	vadd.f32 v9, v12  }
0x20a: {  	v47 =	vld [tilespmem:s15+$0xE3A0];
	v45 =	vadd.f32 v34, v41;
	v46 =	vadd.f32 v36, v42  }
0x20b: {  	v48 =	vld [tilespmem:s15+$0xE3B0];
	v6 =	vadd.f32 v6, v8;
	v7 =	vadd.f32 v7, v9  }
0x20c: {  	v51 =	vld [tilespmem:s15+$0xE3F0];
	v49 =	vadd.f32 v39, v45;
	v50 =	vadd.f32 v40, v46  }
0x20d: {  	v52 =	vld [tilespmem:s15+$0xE400];
	v4 =	vadd.f32 v4, v6;
	v5 =	vadd.f32 v5, v7  }
0x20e: {  	v55 =	vld [tilespmem:s15+$0xE410];
	v53 =	vadd.f32 v43, v49;
	v54 =	vadd.f32 v44, v50  }
0x20f: {  	v2 =	vadd.f32 v2, v4;
	v3 =	vadd.f32 v3, v5  }
0x210: {  	v56 =	vadd.f32 v47, v53;
	v57 =	vadd.f32 v48, v54  }
0x211: {  	v58 =	vld [tilespmem:$0x1B100];
	v0 =	vadd.f32 v0, v2;
	v1 =	vadd.f32 v1, v3  }
0x212: {  	v59 =	vadd.f32 v51, v56;
	v60 =	vadd.f32 v52, v57  }
0x213: {  	v61 =	vadd.f32 v55, v10  }
0x214: {  	v0 =	vadd.f32 v1, v0;
	v62 =	vadd.f32 v60, v59;
	_ =	sdelay $0x1  }
0x215: {  	v63 =	vadd.f32 v58, v61;
	v0 =	vadd.f32 v62, v0;
	_ =	sdelay $0x1  }
0x216: {  	s13 =	sadd.s32 $0x1, s13;
	v0 =	vadd.f32 v63, v0  }
0x217: {  	s14 =	sadd.s32 $0x10, s14;
	p0 =	sne.s32 s13, s7  }
.Ltmp3:
0x218: {  	[tilespmem:s14+$0x0] =	vst v0;
	(pc) =	sbr.rel @p0 .LBB2_1-.Ltmp3, $4  }
0x219: {  	[hbm4b:s6+s3] =	stream.linear.scatter [tilespmem:s12], [sflag:$0x2], $0x800, $0x38;
	[tilespmem:$0x1B110] =	vst v63  }
0x21a: {  	_ =	swait.ge [sflag:s9], $0x800  }
0x21b: {  	[sflag:s9] =	ssyncset.done $0x0  }
0x21c: {  	[sflag:s9] =	ssyncadd.s32 $0xFFFFF800  }
0x21d: {  	_ =	sfence.sel $0x180000  }
0x21e: {  	[bflag:$0x0] =	sbarrier.arrive $0xFFFF  }
0x21f: {  	p0 =	sne.s32 s0, $0x0;
	_ =	strace $0x90000047  }
0x220: {  	s0 =	sadd.s32 @!p0 $0x100000, s1;
	[bflag:$0x2] =	sbarrier.arrive $0xFFFF  }
0x221: {  	[sflag:s0] =	ssyncadd.tile.s32 @!p0 $0x1;
	_ =	shalt  }
.Lfunc_end2:
_tile_overlayer_lowered:
.L_overlay_start_2:
0x222: {  	(tag) =	ssettag $0x2  }
0x223: {  	s0 =	rddreg [dreg:$0x0];
	s2 =	stileid.u32  }
0x224: {  	s1 =	rddreg [dreg:$0x1];
	p0 =	sne.s32 s2, $0x0  }
0x225: {  	s3 =	rddreg [dreg:$0x2];
	[bflag:$0x3] =	sbarrier.arrive $0xFFFF;
	s2 =	simm.s32 @!p0 $0x1C02  }
0x226: {  	[timem:s3], [sflag:s2] =	dma.local @!p0 [hbm:s0], s1  }
0x227: {  	s0 =	simm.s32 @!p0 $0x2  }
0x228: {  	_ =	swait.ge @!p0 [sflag:s0], s1  }
0x229: {  	s1 =	ssub.s32 @!p0 $0x0, s1;
	[sflag:s0] =	ssyncset.done @!p0 $0x0  }
0x22a: {  	[sflag:s0] =	ssyncadd.s32 @!p0 s1  }
0x22b: {  	[bflag:$0x3] =	sbarrier.arrive $0xFFFF  }
0x22c: {  	_ =	shalt  }

</sc_bundles>
